<compile_context>
chip_gen: v7x
topology: tpu7x:2x2x1
jax: 0.10.2.dev20260603
libtpu: 0.0.44.dev20260713+nightly
codegen_flags: <defaults>
</compile_context>

<pallas_src>
import functools

import jax
import jax.numpy as jnp
from jax import lax
from jax.experimental import pallas as pl
from jax.experimental.pallas import tpu as pltpu
from jax.experimental.pallas import tpu_sc as plsc

EMBED_DIM = 32
PAD_DIM = 128
WINDOW = 320
LANES = 16
UNROLL = 16
NUM_CORES = 2
NUM_SUBCORES = 16
NUM_WORKERS = NUM_CORES * NUM_SUBCORES


def kernel(token_ids, table):
    batch, seq = token_ids.shape
    n = batch * seq
    per_worker = n // NUM_WORKERS
    assert per_worker * NUM_WORKERS == n and per_worker % WINDOW == 0
    steps = per_worker // WINDOW
    assert steps % 2 == 0
    idx = token_ids.reshape(n)
    table128 = jnp.pad(table, ((0, 0), (0, PAD_DIM - EMBED_DIM)))

    mesh = plsc.VectorSubcoreMesh(core_axis_name="c", subcore_axis_name="s")

    @functools.partial(
        pl.kernel,
        out_type=jax.ShapeDtypeStruct((n, EMBED_DIM), table.dtype),
        mesh=mesh,
        scratch_types=[
            pltpu.VMEM((WINDOW,), jnp.int32),
            pltpu.VMEM((WINDOW,), jnp.int32),
            pltpu.VMEM((WINDOW, PAD_DIM), jnp.float32),
            pltpu.VMEM((WINDOW, PAD_DIM), jnp.float32),
            pltpu.VMEM((WINDOW, EMBED_DIM), jnp.float32),
            pltpu.SemaphoreType.DMA,
            pltpu.SemaphoreType.DMA,
        ],
    )
    def run(table_hbm, idx_hbm, out_hbm, i0, i1, r0, r1, packed_v, s0, s1):
        wid = lax.axis_index("s") * NUM_CORES + lax.axis_index("c")
        base = wid * per_worker
        idx_bufs = (i0, i1)
        row_bufs = (r0, r1)
        sems = (s0, s1)

        def fetch(w, b):
            iv, rv, sem = idx_bufs[b], row_bufs[b], sems[b]
            pltpu.sync_copy(idx_hbm.at[pl.ds(base + w * WINDOW, WINDOW)], iv)

            @pl.loop(0, WINDOW, step=LANES)
            def _(c):
                slc = pl.ds(c, LANES)
                iv.at[slc][...] = jnp.maximum(iv.at[slc][...], 0)

            pltpu.async_copy(table_hbm.at[iv], rv, sem)

        def finish(w, b):
            iv, rv, sem = idx_bufs[b], row_bufs[b], sems[b]
            pltpu.make_async_copy(table_hbm.at[iv], rv, sem).wait()

            @pl.loop(0, WINDOW, step=UNROLL)
            def _(i):
                for u in range(UNROLL):
                    for h in range(EMBED_DIM // LANES):
                        slc = (pl.ds(i + u, 1), pl.ds(h * LANES, LANES))
                        packed_v.at[*slc][...] = rv.at[*slc][...]

            pltpu.sync_copy(
                packed_v, out_hbm.at[pl.ds(base + w * WINDOW, WINDOW)]
            )

        fetch(0, 0)

        @pl.loop(0, steps // 2)
        def _(p):
            w0 = 2 * p
            fetch(w0 + 1, 1)
            finish(w0, 0)

            @pl.when(w0 + 2 < steps)
            def _():
                fetch(w0 + 2, 0)

            finish(w0 + 1, 1)

    out = run(table128, idx)
    return out.reshape(batch, seq, EMBED_DIM)

# --- scband reference (transcript-rebuilt; emitter-appended) ---
"""Pipeline reference for scband-flow-input-embedding-wrapper-65936337928765 (READ-ONLY COPY).

The authoritative reference and input builder live on the scoring server;
editing this copy changes nothing except your own understanding.
"""

import jax, jax.numpy as jnp
import numpy as np

VOCAB = 1000000
EMBED_DIM = 32
BATCH = 4096
SEQ_LEN = 200

def setup_inputs(seed: int = 0) -> dict:
    key = jax.random.key(seed)
    k1, k2 = jax.random.split(key)
    token_ids = jax.random.randint(k1, (BATCH, SEQ_LEN), 0, VOCAB, dtype=jnp.int64 if jax.config.jax_enable_x64 else jnp.int32)
    table = jax.random.normal(k2, (VOCAB, EMBED_DIM), dtype=jnp.float32)
    return {"token_ids": token_ids, "table": table}

def reference(token_ids, table):
    # forward: embedding(clamp(token_ids, min=0))
    idx = jnp.clip(token_ids, 0, None)
    return jnp.take(table, idx, axis=0)

if __name__ == "__main__":
    import jax
    _d = setup_inputs()
    print(jax.jit(kernel)(*tuple(_d.values())))

</pallas_src>

<mosaic_0001>
#map = affine_map<(d0, d1) -> (0, 0)>
#map1 = affine_map<(d0, d1) -> (0)>
module attributes {stable_mosaic.version = 14 : i64} {
  func.func @run(%arg0: i32, %arg1: i32, %arg2: memref<1000000x128xf32, #tpu.memory_space<hbm>>, %arg3: memref<819200xi32, #tpu.memory_space<hbm>>, %arg4: memref<819200x32xf32, #tpu.memory_space<hbm>>, %arg5: memref<320xi32, #tpu.memory_space<vmem>>, %arg6: memref<320xi32, #tpu.memory_space<vmem>>, %arg7: memref<320x128xf32, #tpu.memory_space<vmem>>, %arg8: memref<320x128xf32, #tpu.memory_space<vmem>>, %arg9: memref<320x32xf32, #tpu.memory_space<vmem>>, %arg10: memref<!tpu.dma_semaphore, #tpu.memory_space<semaphore_mem>>, %arg11: memref<!tpu.dma_semaphore, #tpu.memory_space<semaphore_mem>>) attributes {dimension_semantics = [#tpu.dimension_semantics<core_parallel>, #tpu.dimension_semantics<subcore_parallel>], iteration_bounds = array<i64: 2, 16>, scalar_prefetch = 0 : i64, scratch_operands = 7 : i64, tpu.core_type = #tpu.core_type<sc_vector_subcore>, window_params = [{transform_indices = #map}, {transform_indices = #map1}, {transform_indices = #map}]} {
    %mul3A = arith.constant 2 : i32
    %mul3A_0 = arith.muli %arg1, %mul3A : i32
    %add3A = arith.addi %mul3A_0, %arg0 : i32
    %mul3A_1 = arith.constant 25600 : i32
    %mul3A_2 = arith.muli %add3A, %mul3A_1 : i32
    %add3A_3 = arith.constant 0 : i32
    %add3A_4 = arith.addi %mul3A_2, %add3A_3 : i32
    "tpu.region"() ({
      %run_scoped3A = tpu.sem_alloc : memref<!tpu.dma_semaphore, #tpu.memory_space<semaphore_mem>>
      %dma_start3A_16 = tpu.memref_slice %arg3[%add3A_4] : memref<819200xi32, #tpu.memory_space<hbm>> -> memref<320xi32, #tpu.memory_space<hbm>>
      %dma_start3A_17 = tpu.memref_slice %arg3[%add3A_4] : memref<819200xi32, #tpu.memory_space<hbm>> -> memref<320xi32, #tpu.memory_space<hbm>>
      tpu.enqueue_dma source(%dma_start3A_17 : memref<320xi32, #tpu.memory_space<hbm>>) target(%arg5 : memref<320xi32, #tpu.memory_space<vmem>>) target_semaphore(%run_scoped3A : memref<!tpu.dma_semaphore, #tpu.memory_space<semaphore_mem>>)
      %dma_wait3A = tpu.memref_slice %arg3[%add3A_4] : memref<819200xi32, #tpu.memory_space<hbm>> -> memref<320xi32, #tpu.memory_space<hbm>>
      %dma_wait3A_18 = tpu.memref_slice %arg3[%add3A_4] : memref<819200xi32, #tpu.memory_space<hbm>> -> memref<320xi32, #tpu.memory_space<hbm>>
      tpu.wait_dma2 semaphore(%run_scoped3A : memref<!tpu.dma_semaphore, #tpu.memory_space<semaphore_mem>>) src(%dma_wait3A_18 : memref<320xi32, #tpu.memory_space<hbm>>) dst(%arg5 : memref<320xi32, #tpu.memory_space<vmem>>)
      tpu.yield
    }) : () -> ()
    %scan3A = arith.constant 0 : i32
    %scan3A_5 = arith.constant 20 : i32
    %scan3A_6 = arith.addi %scan3A, %scan3A_5 : i32
    %scan3A_7 = arith.constant 1 : i32
    scf.for %scan3A_16 = %scan3A to %scan3A_6 step %scan3A_7  : i32 {
      %mul3A_17 = arith.constant 16 : i32
      %mul3A_18 = arith.muli %scan3A_16, %mul3A_17 : i32
      %add3A_19 = arith.constant 0 : i32
      %add3A_20 = arith.addi %add3A_19, %mul3A_18 : i32
      %get3A = arith.index_cast %add3A_20 : i32 to index
      %get3A_21 = tpu.vector_load %arg5[%get3A] {strides = array<i32>} : memref<320xi32, #tpu.memory_space<vmem>>, vector<16xi32>,
      %get3A_22 = vector.shape_cast %get3A_21 : vector<16xi32> to vector<16xi32>
      %max3A = arith.constant 0 : i32
      %max3A_23 = vector.broadcast %max3A : i32 to vector<16xi32>
      %max3A_24 = arith.maxsi %get3A_22, %max3A_23 : vector<16xi32>
      %swap3A = arith.index_cast %add3A_20 : i32 to index
      %swap3A_25 = tpu.vector_load %arg5[%swap3A] {strides = array<i32>} : memref<320xi32, #tpu.memory_space<vmem>>, vector<16xi32>,
      %swap3A_26 = vector.shape_cast %swap3A_25 : vector<16xi32> to vector<16xi32>
      %swap3A_27 = vector.shape_cast %max3A_24 : vector<16xi32> to vector<16xi32>
      tpu.vector_store %arg5[%swap3A], %swap3A_27 {strides = array<i32>} : memref<320xi32, #tpu.memory_space<vmem>>, vector<16xi32>,
    }
    %scan3A_8 = arith.constant 20 : i32
    %dma_start3A = arith.constant 0 : i32
    %dma_start3A_9 = arith.constant 0 : i32
    %dma_start3A_10 = tpu.memref_slice %arg2[%dma_start3A, %dma_start3A_9] : memref<1000000x128xf32, #tpu.memory_space<hbm>> -> memref<1000000x128xf32, #tpu.memory_space<hbm>>
    tpu.enqueue_indirect_dma source(%dma_start3A_10 : memref<1000000x128xf32, #tpu.memory_space<hbm>>) target(%arg7 : memref<320x128xf32, #tpu.memory_space<vmem>>) offsets(%arg5 : memref<320xi32, #tpu.memory_space<vmem>>) semaphore(%arg10 : memref<!tpu.dma_semaphore, #tpu.memory_space<semaphore_mem>>)
    %scan3A_11 = arith.constant 0 : i32
    %scan3A_12 = arith.constant 40 : i32
    %scan3A_13 = arith.addi %scan3A_11, %scan3A_12 : i32
    %scan3A_14 = arith.constant 1 : i32
    scf.for %scan3A_16 = %scan3A_11 to %scan3A_13 step %scan3A_14  : i32 {
      %mul3A_17 = arith.constant 1 : i32
      %mul3A_18 = arith.muli %scan3A_16, %mul3A_17 : i32
      %add3A_19 = arith.constant 0 : i32
      %add3A_20 = arith.addi %add3A_19, %mul3A_18 : i32
      %mul3A_21 = arith.constant 2 : i32
      %mul3A_22 = arith.muli %mul3A_21, %add3A_20 : i32
      %add3A_23 = arith.constant 1 : i32
      %add3A_24 = arith.addi %mul3A_22, %add3A_23 : i32
      %mul3A_25 = arith.constant 320 : i32
      %mul3A_26 = arith.muli %add3A_24, %mul3A_25 : i32
      %add3A_27 = arith.addi %mul3A_2, %mul3A_26 : i32
      "tpu.region"() ({
        %run_scoped3A = tpu.sem_alloc : memref<!tpu.dma_semaphore, #tpu.memory_space<semaphore_mem>>
        %dma_start3A_63 = tpu.memref_slice %arg3[%add3A_27] : memref<819200xi32, #tpu.memory_space<hbm>> -> memref<320xi32, #tpu.memory_space<hbm>>
        %dma_start3A_64 = tpu.memref_slice %arg3[%add3A_27] : memref<819200xi32, #tpu.memory_space<hbm>> -> memref<320xi32, #tpu.memory_space<hbm>>
        tpu.enqueue_dma source(%dma_start3A_64 : memref<320xi32, #tpu.memory_space<hbm>>) target(%arg6 : memref<320xi32, #tpu.memory_space<vmem>>) target_semaphore(%run_scoped3A : memref<!tpu.dma_semaphore, #tpu.memory_space<semaphore_mem>>)
        %dma_wait3A_65 = tpu.memref_slice %arg3[%add3A_27] : memref<819200xi32, #tpu.memory_space<hbm>> -> memref<320xi32, #tpu.memory_space<hbm>>
        %dma_wait3A_66 = tpu.memref_slice %arg3[%add3A_27] : memref<819200xi32, #tpu.memory_space<hbm>> -> memref<320xi32, #tpu.memory_space<hbm>>
        tpu.wait_dma2 semaphore(%run_scoped3A : memref<!tpu.dma_semaphore, #tpu.memory_space<semaphore_mem>>) src(%dma_wait3A_66 : memref<320xi32, #tpu.memory_space<hbm>>) dst(%arg6 : memref<320xi32, #tpu.memory_space<vmem>>)
        tpu.yield
      }) : () -> ()
      %scan3A_28 = arith.constant 0 : i32
      %scan3A_29 = arith.constant 20 : i32
      %scan3A_30 = arith.addi %scan3A_28, %scan3A_29 : i32
      %scan3A_31 = arith.constant 1 : i32
      scf.for %scan3A_63 = %scan3A_28 to %scan3A_30 step %scan3A_31  : i32 {
        %mul3A_64 = arith.constant 16 : i32
        %mul3A_65 = arith.muli %scan3A_63, %mul3A_64 : i32
        %add3A_66 = arith.constant 0 : i32
        %add3A_67 = arith.addi %add3A_66, %mul3A_65 : i32
        %get3A = arith.index_cast %add3A_67 : i32 to index
        %get3A_68 = tpu.vector_load %arg6[%get3A] {strides = array<i32>} : memref<320xi32, #tpu.memory_space<vmem>>, vector<16xi32>,
        %get3A_69 = vector.shape_cast %get3A_68 : vector<16xi32> to vector<16xi32>
        %max3A = arith.constant 0 : i32
        %max3A_70 = vector.broadcast %max3A : i32 to vector<16xi32>
        %max3A_71 = arith.maxsi %get3A_69, %max3A_70 : vector<16xi32>
        %swap3A = arith.index_cast %add3A_67 : i32 to index
        %swap3A_72 = tpu.vector_load %arg6[%swap3A] {strides = array<i32>} : memref<320xi32, #tpu.memory_space<vmem>>, vector<16xi32>,
        %swap3A_73 = vector.shape_cast %swap3A_72 : vector<16xi32> to vector<16xi32>
        %swap3A_74 = vector.shape_cast %max3A_71 : vector<16xi32> to vector<16xi32>
        tpu.vector_store %arg6[%swap3A], %swap3A_74 {strides = array<i32>} : memref<320xi32, #tpu.memory_space<vmem>>, vector<16xi32>,
      }
      %scan3A_32 = arith.constant 20 : i32
      %dma_start3A_33 = arith.constant 0 : i32
      %dma_start3A_34 = arith.constant 0 : i32
      %dma_start3A_35 = tpu.memref_slice %arg2[%dma_start3A_33, %dma_start3A_34] : memref<1000000x128xf32, #tpu.memory_space<hbm>> -> memref<1000000x128xf32, #tpu.memory_space<hbm>>
      tpu.enqueue_indirect_dma source(%dma_start3A_35 : memref<1000000x128xf32, #tpu.memory_space<hbm>>) target(%arg8 : memref<320x128xf32, #tpu.memory_space<vmem>>) offsets(%arg6 : memref<320xi32, #tpu.memory_space<vmem>>) semaphore(%arg11 : memref<!tpu.dma_semaphore, #tpu.memory_space<semaphore_mem>>)
      %dma_wait3A = arith.constant 0 : i32
      %dma_wait3A_36 = arith.constant 0 : i32
      %dma_wait3A_37 = tpu.memref_slice %arg2[%dma_wait3A, %dma_wait3A_36] : memref<1000000x128xf32, #tpu.memory_space<hbm>> -> memref<1000000x128xf32, #tpu.memory_space<hbm>>
      tpu.wait_indirect_dma semaphore(%arg10 : memref<!tpu.dma_semaphore, #tpu.memory_space<semaphore_mem>>) src(%dma_wait3A_37 : memref<1000000x128xf32, #tpu.memory_space<hbm>>) dst(%arg7 : memref<320x128xf32, #tpu.memory_space<vmem>>)
      %scan3A_38 = arith.constant 0 : i32
      %scan3A_39 = arith.constant 20 : i32
      %scan3A_40 = arith.addi %scan3A_38, %scan3A_39 : i32
      %scan3A_41 = arith.constant 1 : i32
      scf.for %scan3A_63 = %scan3A_38 to %scan3A_40 step %scan3A_41  : i32 {
        %mul3A_64 = arith.constant 16 : i32
        %mul3A_65 = arith.muli %scan3A_63, %mul3A_64 : i32
        %add3A_66 = arith.constant 0 : i32
        %add3A_67 = arith.addi %add3A_66, %mul3A_65 : i32
        %add3A_68 = arith.constant 0 : i32
        %add3A_69 = arith.addi %add3A_67, %add3A_68 : i32
        %get3A = arith.index_cast %add3A_69 : i32 to index
        %get3A_70 = arith.constant 0 : index
        %get3A_71 = tpu.vector_load %arg7[%get3A, %get3A_70] {strides = array<i32>} : memref<320x128xf32, #tpu.memory_space<vmem>>, vector<1x16xf32>,
        %get3A_72 = vector.shape_cast %get3A_71 : vector<1x16xf32> to vector<1x16xf32>
        %swap3A = arith.index_cast %add3A_69 : i32 to index
        %swap3A_73 = arith.constant 0 : index
        %swap3A_74 = tpu.vector_load %arg9[%swap3A, %swap3A_73] {strides = array<i32>} : memref<320x32xf32, #tpu.memory_space<vmem>>, vector<1x16xf32>,
        %swap3A_75 = vector.shape_cast %swap3A_74 : vector<1x16xf32> to vector<1x16xf32>
        %swap3A_76 = vector.shape_cast %get3A_72 : vector<1x16xf32> to vector<1x16xf32>
        tpu.vector_store %arg9[%swap3A, %swap3A_73], %swap3A_76 {strides = array<i32>} : memref<320x32xf32, #tpu.memory_space<vmem>>, vector<1x16xf32>,
        %add3A_77 = arith.constant 0 : i32
        %add3A_78 = arith.addi %add3A_67, %add3A_77 : i32
        %get3A_79 = arith.index_cast %add3A_78 : i32 to index
        %get3A_80 = arith.constant 16 : index
        %get3A_81 = tpu.vector_load %arg7[%get3A_79, %get3A_80] {strides = array<i32>} : memref<320x128xf32, #tpu.memory_space<vmem>>, vector<1x16xf32>,
        %get3A_82 = vector.shape_cast %get3A_81 : vector<1x16xf32> to vector<1x16xf32>
        %swap3A_83 = arith.index_cast %add3A_78 : i32 to index
        %swap3A_84 = arith.constant 16 : index
        %swap3A_85 = tpu.vector_load %arg9[%swap3A_83, %swap3A_84] {strides = array<i32>} : memref<320x32xf32, #tpu.memory_space<vmem>>, vector<1x16xf32>,
        %swap3A_86 = vector.shape_cast %swap3A_85 : vector<1x16xf32> to vector<1x16xf32>
        %swap3A_87 = vector.shape_cast %get3A_82 : vector<1x16xf32> to vector<1x16xf32>
        tpu.vector_store %arg9[%swap3A_83, %swap3A_84], %swap3A_87 {strides = array<i32>} : memref<320x32xf32, #tpu.memory_space<vmem>>, vector<1x16xf32>,
        %add3A_88 = arith.constant 1 : i32
        %add3A_89 = arith.addi %add3A_67, %add3A_88 : i32
        %get3A_90 = arith.index_cast %add3A_89 : i32 to index
        %get3A_91 = arith.constant 0 : index
        %get3A_92 = tpu.vector_load %arg7[%get3A_90, %get3A_91] {strides = array<i32>} : memref<320x128xf32, #tpu.memory_space<vmem>>, vector<1x16xf32>,
        %get3A_93 = vector.shape_cast %get3A_92 : vector<1x16xf32> to vector<1x16xf32>
        %swap3A_94 = arith.index_cast %add3A_89 : i32 to index
        %swap3A_95 = arith.constant 0 : index
        %swap3A_96 = tpu.vector_load %arg9[%swap3A_94, %swap3A_95] {strides = array<i32>} : memref<320x32xf32, #tpu.memory_space<vmem>>, vector<1x16xf32>,
        %swap3A_97 = vector.shape_cast %swap3A_96 : vector<1x16xf32> to vector<1x16xf32>
        %swap3A_98 = vector.shape_cast %get3A_93 : vector<1x16xf32> to vector<1x16xf32>
        tpu.vector_store %arg9[%swap3A_94, %swap3A_95], %swap3A_98 {strides = array<i32>} : memref<320x32xf32, #tpu.memory_space<vmem>>, vector<1x16xf32>,
        %add3A_99 = arith.constant 1 : i32
        %add3A_100 = arith.addi %add3A_67, %add3A_99 : i32
        %get3A_101 = arith.index_cast %add3A_100 : i32 to index
        %get3A_102 = arith.constant 16 : index
        %get3A_103 = tpu.vector_load %arg7[%get3A_101, %get3A_102] {strides = array<i32>} : memref<320x128xf32, #tpu.memory_space<vmem>>, vector<1x16xf32>,
        %get3A_104 = vector.shape_cast %get3A_103 : vector<1x16xf32> to vector<1x16xf32>
        %swap3A_105 = arith.index_cast %add3A_100 : i32 to index
        %swap3A_106 = arith.constant 16 : index
        %swap3A_107 = tpu.vector_load %arg9[%swap3A_105, %swap3A_106] {strides = array<i32>} : memref<320x32xf32, #tpu.memory_space<vmem>>, vector<1x16xf32>,
        %swap3A_108 = vector.shape_cast %swap3A_107 : vector<1x16xf32> to vector<1x16xf32>
        %swap3A_109 = vector.shape_cast %get3A_104 : vector<1x16xf32> to vector<1x16xf32>
        tpu.vector_store %arg9[%swap3A_105, %swap3A_106], %swap3A_109 {strides = array<i32>} : memref<320x32xf32, #tpu.memory_space<vmem>>, vector<1x16xf32>,
        %add3A_110 = arith.constant 2 : i32
        %add3A_111 = arith.addi %add3A_67, %add3A_110 : i32
        %get3A_112 = arith.index_cast %add3A_111 : i32 to index
        %get3A_113 = arith.constant 0 : index
        %get3A_114 = tpu.vector_load %arg7[%get3A_112, %get3A_113] {strides = array<i32>} : memref<320x128xf32, #tpu.memory_space<vmem>>, vector<1x16xf32>,
        %get3A_115 = vector.shape_cast %get3A_114 : vector<1x16xf32> to vector<1x16xf32>
        %swap3A_116 = arith.index_cast %add3A_111 : i32 to index
        %swap3A_117 = arith.constant 0 : index
        %swap3A_118 = tpu.vector_load %arg9[%swap3A_116, %swap3A_117] {strides = array<i32>} : memref<320x32xf32, #tpu.memory_space<vmem>>, vector<1x16xf32>,
        %swap3A_119 = vector.shape_cast %swap3A_118 : vector<1x16xf32> to vector<1x16xf32>
        %swap3A_120 = vector.shape_cast %get3A_115 : vector<1x16xf32> to vector<1x16xf32>
        tpu.vector_store %arg9[%swap3A_116, %swap3A_117], %swap3A_120 {strides = array<i32>} : memref<320x32xf32, #tpu.memory_space<vmem>>, vector<1x16xf32>,
        %add3A_121 = arith.constant 2 : i32
        %add3A_122 = arith.addi %add3A_67, %add3A_121 : i32
        %get3A_123 = arith.index_cast %add3A_122 : i32 to index
        %get3A_124 = arith.constant 16 : index
        %get3A_125 = tpu.vector_load %arg7[%get3A_123, %get3A_124] {strides = array<i32>} : memref<320x128xf32, #tpu.memory_space<vmem>>, vector<1x16xf32>,
        %get3A_126 = vector.shape_cast %get3A_125 : vector<1x16xf32> to vector<1x16xf32>
        %swap3A_127 = arith.index_cast %add3A_122 : i32 to index
        %swap3A_128 = arith.constant 16 : index
        %swap3A_129 = tpu.vector_load %arg9[%swap3A_127, %swap3A_128] {strides = array<i32>} : memref<320x32xf32, #tpu.memory_space<vmem>>, vector<1x16xf32>,
        %swap3A_130 = vector.shape_cast %swap3A_129 : vector<1x16xf32> to vector<1x16xf32>
        %swap3A_131 = vector.shape_cast %get3A_126 : vector<1x16xf32> to vector<1x16xf32>
        tpu.vector_store %arg9[%swap3A_127, %swap3A_128], %swap3A_131 {strides = array<i32>} : memref<320x32xf32, #tpu.memory_space<vmem>>, vector<1x16xf32>,
        %add3A_132 = arith.constant 3 : i32
        %add3A_133 = arith.addi %add3A_67, %add3A_132 : i32
        %get3A_134 = arith.index_cast %add3A_133 : i32 to index
        %get3A_135 = arith.constant 0 : index
        %get3A_136 = tpu.vector_load %arg7[%get3A_134, %get3A_135] {strides = array<i32>} : memref<320x128xf32, #tpu.memory_space<vmem>>, vector<1x16xf32>,
        %get3A_137 = vector.shape_cast %get3A_136 : vector<1x16xf32> to vector<1x16xf32>
        %swap3A_138 = arith.index_cast %add3A_133 : i32 to index
        %swap3A_139 = arith.constant 0 : index
        %swap3A_140 = tpu.vector_load %arg9[%swap3A_138, %swap3A_139] {strides = array<i32>} : memref<320x32xf32, #tpu.memory_space<vmem>>, vector<1x16xf32>,
        %swap3A_141 = vector.shape_cast %swap3A_140 : vector<1x16xf32> to vector<1x16xf32>
        %swap3A_142 = vector.shape_cast %get3A_137 : vector<1x16xf32> to vector<1x16xf32>
        tpu.vector_store %arg9[%swap3A_138, %swap3A_139], %swap3A_142 {strides = array<i32>} : memref<320x32xf32, #tpu.memory_space<vmem>>, vector<1x16xf32>,
        %add3A_143 = arith.constant 3 : i32
        %add3A_144 = arith.addi %add3A_67, %add3A_143 : i32
        %get3A_145 = arith.index_cast %add3A_144 : i32 to index
        %get3A_146 = arith.constant 16 : index
        %get3A_147 = tpu.vector_load %arg7[%get3A_145, %get3A_146] {strides = array<i32>} : memref<320x128xf32, #tpu.memory_space<vmem>>, vector<1x16xf32>,
        %get3A_148 = vector.shape_cast %get3A_147 : vector<1x16xf32> to vector<1x16xf32>
        %swap3A_149 = arith.index_cast %add3A_144 : i32 to index
        %swap3A_150 = arith.constant 16 : index
        %swap3A_151 = tpu.vector_load %arg9[%swap3A_149, %swap3A_150] {strides = array<i32>} : memref<320x32xf32, #tpu.memory_space<vmem>>, vector<1x16xf32>,
        %swap3A_152 = vector.shape_cast %swap3A_151 : vector<1x16xf32> to vector<1x16xf32>
        %swap3A_153 = vector.shape_cast %get3A_148 : vector<1x16xf32> to vector<1x16xf32>
        tpu.vector_store %arg9[%swap3A_149, %swap3A_150], %swap3A_153 {strides = array<i32>} : memref<320x32xf32, #tpu.memory_space<vmem>>, vector<1x16xf32>,
        %add3A_154 = arith.constant 4 : i32
        %add3A_155 = arith.addi %add3A_67, %add3A_154 : i32
        %get3A_156 = arith.index_cast %add3A_155 : i32 to index
        %get3A_157 = arith.constant 0 : index
        %get3A_158 = tpu.vector_load %arg7[%get3A_156, %get3A_157] {strides = array<i32>} : memref<320x128xf32, #tpu.memory_space<vmem>>, vector<1x16xf32>,
        %get3A_159 = vector.shape_cast %get3A_158 : vector<1x16xf32> to vector<1x16xf32>
        %swap3A_160 = arith.index_cast %add3A_155 : i32 to index
        %swap3A_161 = arith.constant 0 : index
        %swap3A_162 = tpu.vector_load %arg9[%swap3A_160, %swap3A_161] {strides = array<i32>} : memref<320x32xf32, #tpu.memory_space<vmem>>, vector<1x16xf32>,
        %swap3A_163 = vector.shape_cast %swap3A_162 : vector<1x16xf32> to vector<1x16xf32>
        %swap3A_164 = vector.shape_cast %get3A_159 : vector<1x16xf32> to vector<1x16xf32>
        tpu.vector_store %arg9[%swap3A_160, %swap3A_161], %swap3A_164 {strides = array<i32>} : memref<320x32xf32, #tpu.memory_space<vmem>>, vector<1x16xf32>,
        %add3A_165 = arith.constant 4 : i32
        %add3A_166 = arith.addi %add3A_67, %add3A_165 : i32
        %get3A_167 = arith.index_cast %add3A_166 : i32 to index
        %get3A_168 = arith.constant 16 : index
        %get3A_169 = tpu.vector_load %arg7[%get3A_167, %get3A_168] {strides = array<i32>} : memref<320x128xf32, #tpu.memory_space<vmem>>, vector<1x16xf32>,
        %get3A_170 = vector.shape_cast %get3A_169 : vector<1x16xf32> to vector<1x16xf32>
        %swap3A_171 = arith.index_cast %add3A_166 : i32 to index
        %swap3A_172 = arith.constant 16 : index
        %swap3A_173 = tpu.vector_load %arg9[%swap3A_171, %swap3A_172] {strides = array<i32>} : memref<320x32xf32, #tpu.memory_space<vmem>>, vector<1x16xf32>,
        %swap3A_174 = vector.shape_cast %swap3A_173 : vector<1x16xf32> to vector<1x16xf32>
        %swap3A_175 = vector.shape_cast %get3A_170 : vector<1x16xf32> to vector<1x16xf32>
        tpu.vector_store %arg9[%swap3A_171, %swap3A_172], %swap3A_175 {strides = array<i32>} : memref<320x32xf32, #tpu.memory_space<vmem>>, vector<1x16xf32>,
        %add3A_176 = arith.constant 5 : i32
        %add3A_177 = arith.addi %add3A_67, %add3A_176 : i32
        %get3A_178 = arith.index_cast %add3A_177 : i32 to index
        %get3A_179 = arith.constant 0 : index
        %get3A_180 = tpu.vector_load %arg7[%get3A_178, %get3A_179] {strides = array<i32>} : memref<320x128xf32, #tpu.memory_space<vmem>>, vector<1x16xf32>,
        %get3A_181 = vector.shape_cast %get3A_180 : vector<1x16xf32> to vector<1x16xf32>
        %swap3A_182 = arith.index_cast %add3A_177 : i32 to index
        %swap3A_183 = arith.constant 0 : index
        %swap3A_184 = tpu.vector_load %arg9[%swap3A_182, %swap3A_183] {strides = array<i32>} : memref<320x32xf32, #tpu.memory_space<vmem>>, vector<1x16xf32>,
        %swap3A_185 = vector.shape_cast %swap3A_184 : vector<1x16xf32> to vector<1x16xf32>
        %swap3A_186 = vector.shape_cast %get3A_181 : vector<1x16xf32> to vector<1x16xf32>
        tpu.vector_store %arg9[%swap3A_182, %swap3A_183], %swap3A_186 {strides = array<i32>} : memref<320x32xf32, #tpu.memory_space<vmem>>, vector<1x16xf32>,
        %add3A_187 = arith.constant 5 : i32
        %add3A_188 = arith.addi %add3A_67, %add3A_187 : i32
        %get3A_189 = arith.index_cast %add3A_188 : i32 to index
        %get3A_190 = arith.constant 16 : index
        %get3A_191 = tpu.vector_load %arg7[%get3A_189, %get3A_190] {strides = array<i32>} : memref<320x128xf32, #tpu.memory_space<vmem>>, vector<1x16xf32>,
        %get3A_192 = vector.shape_cast %get3A_191 : vector<1x16xf32> to vector<1x16xf32>
        %swap3A_193 = arith.index_cast %add3A_188 : i32 to index
        %swap3A_194 = arith.constant 16 : index
        %swap3A_195 = tpu.vector_load %arg9[%swap3A_193, %swap3A_194] {strides = array<i32>} : memref<320x32xf32, #tpu.memory_space<vmem>>, vector<1x16xf32>,
        %swap3A_196 = vector.shape_cast %swap3A_195 : vector<1x16xf32> to vector<1x16xf32>
        %swap3A_197 = vector.shape_cast %get3A_192 : vector<1x16xf32> to vector<1x16xf32>
        tpu.vector_store %arg9[%swap3A_193, %swap3A_194], %swap3A_197 {strides = array<i32>} : memref<320x32xf32, #tpu.memory_space<vmem>>, vector<1x16xf32>,
        %add3A_198 = arith.constant 6 : i32
        %add3A_199 = arith.addi %add3A_67, %add3A_198 : i32
        %get3A_200 = arith.index_cast %add3A_199 : i32 to index
        %get3A_201 = arith.constant 0 : index
        %get3A_202 = tpu.vector_load %arg7[%get3A_200, %get3A_201] {strides = array<i32>} : memref<320x128xf32, #tpu.memory_space<vmem>>, vector<1x16xf32>,
        %get3A_203 = vector.shape_cast %get3A_202 : vector<1x16xf32> to vector<1x16xf32>
        %swap3A_204 = arith.index_cast %add3A_199 : i32 to index
        %swap3A_205 = arith.constant 0 : index
        %swap3A_206 = tpu.vector_load %arg9[%swap3A_204, %swap3A_205] {strides = array<i32>} : memref<320x32xf32, #tpu.memory_space<vmem>>, vector<1x16xf32>,
        %swap3A_207 = vector.shape_cast %swap3A_206 : vector<1x16xf32> to vector<1x16xf32>
        %swap3A_208 = vector.shape_cast %get3A_203 : vector<1x16xf32> to vector<1x16xf32>
        tpu.vector_store %arg9[%swap3A_204, %swap3A_205], %swap3A_208 {strides = array<i32>} : memref<320x32xf32, #tpu.memory_space<vmem>>, vector<1x16xf32>,
        %add3A_209 = arith.constant 6 : i32
        %add3A_210 = arith.addi %add3A_67, %add3A_209 : i32
        %get3A_211 = arith.index_cast %add3A_210 : i32 to index
        %get3A_212 = arith.constant 16 : index
        %get3A_213 = tpu.vector_load %arg7[%get3A_211, %get3A_212] {strides = array<i32>} : memref<320x128xf32, #tpu.memory_space<vmem>>, vector<1x16xf32>,
        %get3A_214 = vector.shape_cast %get3A_213 : vector<1x16xf32> to vector<1x16xf32>
        %swap3A_215 = arith.index_cast %add3A_210 : i32 to index
        %swap3A_216 = arith.constant 16 : index
        %swap3A_217 = tpu.vector_load %arg9[%swap3A_215, %swap3A_216] {strides = array<i32>} : memref<320x32xf32, #tpu.memory_space<vmem>>, vector<1x16xf32>,
        %swap3A_218 = vector.shape_cast %swap3A_217 : vector<1x16xf32> to vector<1x16xf32>
        %swap3A_219 = vector.shape_cast %get3A_214 : vector<1x16xf32> to vector<1x16xf32>
        tpu.vector_store %arg9[%swap3A_215, %swap3A_216], %swap3A_219 {strides = array<i32>} : memref<320x32xf32, #tpu.memory_space<vmem>>, vector<1x16xf32>,
        %add3A_220 = arith.constant 7 : i32
        %add3A_221 = arith.addi %add3A_67, %add3A_220 : i32
        %get3A_222 = arith.index_cast %add3A_221 : i32 to index
        %get3A_223 = arith.constant 0 : index
        %get3A_224 = tpu.vector_load %arg7[%get3A_222, %get3A_223] {strides = array<i32>} : memref<320x128xf32, #tpu.memory_space<vmem>>, vector<1x16xf32>,
        %get3A_225 = vector.shape_cast %get3A_224 : vector<1x16xf32> to vector<1x16xf32>
        %swap3A_226 = arith.index_cast %add3A_221 : i32 to index
        %swap3A_227 = arith.constant 0 : index
        %swap3A_228 = tpu.vector_load %arg9[%swap3A_226, %swap3A_227] {strides = array<i32>} : memref<320x32xf32, #tpu.memory_space<vmem>>, vector<1x16xf32>,
        %swap3A_229 = vector.shape_cast %swap3A_228 : vector<1x16xf32> to vector<1x16xf32>
        %swap3A_230 = vector.shape_cast %get3A_225 : vector<1x16xf32> to vector<1x16xf32>
        tpu.vector_store %arg9[%swap3A_226, %swap3A_227], %swap3A_230 {strides = array<i32>} : memref<320x32xf32, #tpu.memory_space<vmem>>, vector<1x16xf32>,
        %add3A_231 = arith.constant 7 : i32
        %add3A_232 = arith.addi %add3A_67, %add3A_231 : i32
        %get3A_233 = arith.index_cast %add3A_232 : i32 to index
        %get3A_234 = arith.constant 16 : index
        %get3A_235 = tpu.vector_load %arg7[%get3A_233, %get3A_234] {strides = array<i32>} : memref<320x128xf32, #tpu.memory_space<vmem>>, vector<1x16xf32>,
        %get3A_236 = vector.shape_cast %get3A_235 : vector<1x16xf32> to vector<1x16xf32>
        %swap3A_237 = arith.index_cast %add3A_232 : i32 to index
        %swap3A_238 = arith.constant 16 : index
        %swap3A_239 = tpu.vector_load %arg9[%swap3A_237, %swap3A_238] {strides = array<i32>} : memref<320x32xf32, #tpu.memory_space<vmem>>, vector<1x16xf32>,
        %swap3A_240 = vector.shape_cast %swap3A_239 : vector<1x16xf32> to vector<1x16xf32>
        %swap3A_241 = vector.shape_cast %get3A_236 : vector<1x16xf32> to vector<1x16xf32>
        tpu.vector_store %arg9[%swap3A_237, %swap3A_238], %swap3A_241 {strides = array<i32>} : memref<320x32xf32, #tpu.memory_space<vmem>>, vector<1x16xf32>,
        %add3A_242 = arith.constant 8 : i32
        %add3A_243 = arith.addi %add3A_67, %add3A_242 : i32
        %get3A_244 = arith.index_cast %add3A_243 : i32 to index
        %get3A_245 = arith.constant 0 : index
        %get3A_246 = tpu.vector_load %arg7[%get3A_244, %get3A_245] {strides = array<i32>} : memref<320x128xf32, #tpu.memory_space<vmem>>, vector<1x16xf32>,
        %get3A_247 = vector.shape_cast %get3A_246 : vector<1x16xf32> to vector<1x16xf32>
        %swap3A_248 = arith.index_cast %add3A_243 : i32 to index
        %swap3A_249 = arith.constant 0 : index
        %swap3A_250 = tpu.vector_load %arg9[%swap3A_248, %swap3A_249] {strides = array<i32>} : memref<320x32xf32, #tpu.memory_space<vmem>>, vector<1x16xf32>,
        %swap3A_251 = vector.shape_cast %swap3A_250 : vector<1x16xf32> to vector<1x16xf32>
        %swap3A_252 = vector.shape_cast %get3A_247 : vector<1x16xf32> to vector<1x16xf32>
        tpu.vector_store %arg9[%swap3A_248, %swap3A_249], %swap3A_252 {strides = array<i32>} : memref<320x32xf32, #tpu.memory_space<vmem>>, vector<1x16xf32>,
        %add3A_253 = arith.constant 8 : i32
        %add3A_254 = arith.addi %add3A_67, %add3A_253 : i32
        %get3A_255 = arith.index_cast %add3A_254 : i32 to index
        %get3A_256 = arith.constant 16 : index
        %get3A_257 = tpu.vector_load %arg7[%get3A_255, %get3A_256] {strides = array<i32>} : memref<320x128xf32, #tpu.memory_space<vmem>>, vector<1x16xf32>,
        %get3A_258 = vector.shape_cast %get3A_257 : vector<1x16xf32> to vector<1x16xf32>
        %swap3A_259 = arith.index_cast %add3A_254 : i32 to index
        %swap3A_260 = arith.constant 16 : index
        %swap3A_261 = tpu.vector_load %arg9[%swap3A_259, %swap3A_260] {strides = array<i32>} : memref<320x32xf32, #tpu.memory_space<vmem>>, vector<1x16xf32>,
        %swap3A_262 = vector.shape_cast %swap3A_261 : vector<1x16xf32> to vector<1x16xf32>
        %swap3A_263 = vector.shape_cast %get3A_258 : vector<1x16xf32> to vector<1x16xf32>
        tpu.vector_store %arg9[%swap3A_259, %swap3A_260], %swap3A_263 {strides = array<i32>} : memref<320x32xf32, #tpu.memory_space<vmem>>, vector<1x16xf32>,
        %add3A_264 = arith.constant 9 : i32
        %add3A_265 = arith.addi %add3A_67, %add3A_264 : i32
        %get3A_266 = arith.index_cast %add3A_265 : i32 to index
        %get3A_267 = arith.constant 0 : index
        %get3A_268 = tpu.vector_load %arg7[%get3A_266, %get3A_267] {strides = array<i32>} : memref<320x128xf32, #tpu.memory_space<vmem>>, vector<1x16xf32>,
        %get3A_269 = vector.shape_cast %get3A_268 : vector<1x16xf32> to vector<1x16xf32>
        %swap3A_270 = arith.index_cast %add3A_265 : i32 to index
        %swap3A_271 = arith.constant 0 : index
        %swap3A_272 = tpu.vector_load %arg9[%swap3A_270, %swap3A_271] {strides = array<i32>} : memref<320x32xf32, #tpu.memory_space<vmem>>, vector<1x16xf32>,
        %swap3A_273 = vector.shape_cast %swap3A_272 : vector<1x16xf32> to vector<1x16xf32>
        %swap3A_274 = vector.shape_cast %get3A_269 : vector<1x16xf32> to vector<1x16xf32>
        tpu.vector_store %arg9[%swap3A_270, %swap3A_271], %swap3A_274 {strides = array<i32>} : memref<320x32xf32, #tpu.memory_space<vmem>>, vector<1x16xf32>,
        %add3A_275 = arith.constant 9 : i32
        %add3A_276 = arith.addi %add3A_67, %add3A_275 : i32
        %get3A_277 = arith.index_cast %add3A_276 : i32 to index
        %get3A_278 = arith.constant 16 : index
        %get3A_279 = tpu.vector_load %arg7[%get3A_277, %get3A_278] {strides = array<i32>} : memref<320x128xf32, #tpu.memory_space<vmem>>, vector<1x16xf32>,
        %get3A_280 = vector.shape_cast %get3A_279 : vector<1x16xf32> to vector<1x16xf32>
        %swap3A_281 = arith.index_cast %add3A_276 : i32 to index
        %swap3A_282 = arith.constant 16 : index
        %swap3A_283 = tpu.vector_load %arg9[%swap3A_281, %swap3A_282] {strides = array<i32>} : memref<320x32xf32, #tpu.memory_space<vmem>>, vector<1x16xf32>,
        %swap3A_284 = vector.shape_cast %swap3A_283 : vector<1x16xf32> to vector<1x16xf32>
        %swap3A_285 = vector.shape_cast %get3A_280 : vector<1x16xf32> to vector<1x16xf32>
        tpu.vector_store %arg9[%swap3A_281, %swap3A_282], %swap3A_285 {strides = array<i32>} : memref<320x32xf32, #tpu.memory_space<vmem>>, vector<1x16xf32>,
        %add3A_286 = arith.constant 10 : i32
        %add3A_287 = arith.addi %add3A_67, %add3A_286 : i32
        %get3A_288 = arith.index_cast %add3A_287 : i32 to index
        %get3A_289 = arith.constant 0 : index
        %get3A_290 = tpu.vector_load %arg7[%get3A_288, %get3A_289] {strides = array<i32>} : memref<320x128xf32, #tpu.memory_space<vmem>>, vector<1x16xf32>,
        %get3A_291 = vector.shape_cast %get3A_290 : vector<1x16xf32> to vector<1x16xf32>
        %swap3A_292 = arith.index_cast %add3A_287 : i32 to index
        %swap3A_293 = arith.constant 0 : index
        %swap3A_294 = tpu.vector_load %arg9[%swap3A_292, %swap3A_293] {strides = array<i32>} : memref<320x32xf32, #tpu.memory_space<vmem>>, vector<1x16xf32>,
        %swap3A_295 = vector.shape_cast %swap3A_294 : vector<1x16xf32> to vector<1x16xf32>
        %swap3A_296 = vector.shape_cast %get3A_291 : vector<1x16xf32> to vector<1x16xf32>
        tpu.vector_store %arg9[%swap3A_292, %swap3A_293], %swap3A_296 {strides = array<i32>} : memref<320x32xf32, #tpu.memory_space<vmem>>, vector<1x16xf32>,
        %add3A_297 = arith.constant 10 : i32
        %add3A_298 = arith.addi %add3A_67, %add3A_297 : i32
        %get3A_299 = arith.index_cast %add3A_298 : i32 to index
        %get3A_300 = arith.constant 16 : index
        %get3A_301 = tpu.vector_load %arg7[%get3A_299, %get3A_300] {strides = array<i32>} : memref<320x128xf32, #tpu.memory_space<vmem>>, vector<1x16xf32>,
        %get3A_302 = vector.shape_cast %get3A_301 : vector<1x16xf32> to vector<1x16xf32>
        %swap3A_303 = arith.index_cast %add3A_298 : i32 to index
        %swap3A_304 = arith.constant 16 : index
        %swap3A_305 = tpu.vector_load %arg9[%swap3A_303, %swap3A_304] {strides = array<i32>} : memref<320x32xf32, #tpu.memory_space<vmem>>, vector<1x16xf32>,
        %swap3A_306 = vector.shape_cast %swap3A_305 : vector<1x16xf32> to vector<1x16xf32>
        %swap3A_307 = vector.shape_cast %get3A_302 : vector<1x16xf32> to vector<1x16xf32>
        tpu.vector_store %arg9[%swap3A_303, %swap3A_304], %swap3A_307 {strides = array<i32>} : memref<320x32xf32, #tpu.memory_space<vmem>>, vector<1x16xf32>,
        %add3A_308 = arith.constant 11 : i32
        %add3A_309 = arith.addi %add3A_67, %add3A_308 : i32
        %get3A_310 = arith.index_cast %add3A_309 : i32 to index
        %get3A_311 = arith.constant 0 : index
        %get3A_312 = tpu.vector_load %arg7[%get3A_310, %get3A_311] {strides = array<i32>} : memref<320x128xf32, #tpu.memory_space<vmem>>, vector<1x16xf32>,
        %get3A_313 = vector.shape_cast %get3A_312 : vector<1x16xf32> to vector<1x16xf32>
        %swap3A_314 = arith.index_cast %add3A_309 : i32 to index
        %swap3A_315 = arith.constant 0 : index
        %swap3A_316 = tpu.vector_load %arg9[%swap3A_314, %swap3A_315] {strides = array<i32>} : memref<320x32xf32, #tpu.memory_space<vmem>>, vector<1x16xf32>,
        %swap3A_317 = vector.shape_cast %swap3A_316 : vector<1x16xf32> to vector<1x16xf32>
        %swap3A_318 = vector.shape_cast %get3A_313 : vector<1x16xf32> to vector<1x16xf32>
        tpu.vector_store %arg9[%swap3A_314, %swap3A_315], %swap3A_318 {strides = array<i32>} : memref<320x32xf32, #tpu.memory_space<vmem>>, vector<1x16xf32>,
        %add3A_319 = arith.constant 11 : i32
        %add3A_320 = arith.addi %add3A_67, %add3A_319 : i32
        %get3A_321 = arith.index_cast %add3A_320 : i32 to index
        %get3A_322 = arith.constant 16 : index
        %get3A_323 = tpu.vector_load %arg7[%get3A_321, %get3A_322] {strides = array<i32>} : memref<320x128xf32, #tpu.memory_space<vmem>>, vector<1x16xf32>,
        %get3A_324 = vector.shape_cast %get3A_323 : vector<1x16xf32> to vector<1x16xf32>
        %swap3A_325 = arith.index_cast %add3A_320 : i32 to index
        %swap3A_326 = arith.constant 16 : index
        %swap3A_327 = tpu.vector_load %arg9[%swap3A_325, %swap3A_326] {strides = array<i32>} : memref<320x32xf32, #tpu.memory_space<vmem>>, vector<1x16xf32>,
        %swap3A_328 = vector.shape_cast %swap3A_327 : vector<1x16xf32> to vector<1x16xf32>
        %swap3A_329 = vector.shape_cast %get3A_324 : vector<1x16xf32> to vector<1x16xf32>
        tpu.vector_store %arg9[%swap3A_325, %swap3A_326], %swap3A_329 {strides = array<i32>} : memref<320x32xf32, #tpu.memory_space<vmem>>, vector<1x16xf32>,
        %add3A_330 = arith.constant 12 : i32
        %add3A_331 = arith.addi %add3A_67, %add3A_330 : i32
        %get3A_332 = arith.index_cast %add3A_331 : i32 to index
        %get3A_333 = arith.constant 0 : index
        %get3A_334 = tpu.vector_load %arg7[%get3A_332, %get3A_333] {strides = array<i32>} : memref<320x128xf32, #tpu.memory_space<vmem>>, vector<1x16xf32>,
        %get3A_335 = vector.shape_cast %get3A_334 : vector<1x16xf32> to vector<1x16xf32>
        %swap3A_336 = arith.index_cast %add3A_331 : i32 to index
        %swap3A_337 = arith.constant 0 : index
        %swap3A_338 = tpu.vector_load %arg9[%swap3A_336, %swap3A_337] {strides = array<i32>} : memref<320x32xf32, #tpu.memory_space<vmem>>, vector<1x16xf32>,
        %swap3A_339 = vector.shape_cast %swap3A_338 : vector<1x16xf32> to vector<1x16xf32>
        %swap3A_340 = vector.shape_cast %get3A_335 : vector<1x16xf32> to vector<1x16xf32>
        tpu.vector_store %arg9[%swap3A_336, %swap3A_337], %swap3A_340 {strides = array<i32>} : memref<320x32xf32, #tpu.memory_space<vmem>>, vector<1x16xf32>,
        %add3A_341 = arith.constant 12 : i32
        %add3A_342 = arith.addi %add3A_67, %add3A_341 : i32
        %get3A_343 = arith.index_cast %add3A_342 : i32 to index
        %get3A_344 = arith.constant 16 : index
        %get3A_345 = tpu.vector_load %arg7[%get3A_343, %get3A_344] {strides = array<i32>} : memref<320x128xf32, #tpu.memory_space<vmem>>, vector<1x16xf32>,
        %get3A_346 = vector.shape_cast %get3A_345 : vector<1x16xf32> to vector<1x16xf32>
        %swap3A_347 = arith.index_cast %add3A_342 : i32 to index
        %swap3A_348 = arith.constant 16 : index
        %swap3A_349 = tpu.vector_load %arg9[%swap3A_347, %swap3A_348] {strides = array<i32>} : memref<320x32xf32, #tpu.memory_space<vmem>>, vector<1x16xf32>,
        %swap3A_350 = vector.shape_cast %swap3A_349 : vector<1x16xf32> to vector<1x16xf32>
        %swap3A_351 = vector.shape_cast %get3A_346 : vector<1x16xf32> to vector<1x16xf32>
        tpu.vector_store %arg9[%swap3A_347, %swap3A_348], %swap3A_351 {strides = array<i32>} : memref<320x32xf32, #tpu.memory_space<vmem>>, vector<1x16xf32>,
        %add3A_352 = arith.constant 13 : i32
        %add3A_353 = arith.addi %add3A_67, %add3A_352 : i32
        %get3A_354 = arith.index_cast %add3A_353 : i32 to index
        %get3A_355 = arith.constant 0 : index
        %get3A_356 = tpu.vector_load %arg7[%get3A_354, %get3A_355] {strides = array<i32>} : memref<320x128xf32, #tpu.memory_space<vmem>>, vector<1x16xf32>,
        %get3A_357 = vector.shape_cast %get3A_356 : vector<1x16xf32> to vector<1x16xf32>
        %swap3A_358 = arith.index_cast %add3A_353 : i32 to index
        %swap3A_359 = arith.constant 0 : index
        %swap3A_360 = tpu.vector_load %arg9[%swap3A_358, %swap3A_359] {strides = array<i32>} : memref<320x32xf32, #tpu.memory_space<vmem>>, vector<1x16xf32>,
        %swap3A_361 = vector.shape_cast %swap3A_360 : vector<1x16xf32> to vector<1x16xf32>
        %swap3A_362 = vector.shape_cast %get3A_357 : vector<1x16xf32> to vector<1x16xf32>
        tpu.vector_store %arg9[%swap3A_358, %swap3A_359], %swap3A_362 {strides = array<i32>} : memref<320x32xf32, #tpu.memory_space<vmem>>, vector<1x16xf32>,
        %add3A_363 = arith.constant 13 : i32
        %add3A_364 = arith.addi %add3A_67, %add3A_363 : i32
        %get3A_365 = arith.index_cast %add3A_364 : i32 to index
        %get3A_366 = arith.constant 16 : index
        %get3A_367 = tpu.vector_load %arg7[%get3A_365, %get3A_366] {strides = array<i32>} : memref<320x128xf32, #tpu.memory_space<vmem>>, vector<1x16xf32>,
        %get3A_368 = vector.shape_cast %get3A_367 : vector<1x16xf32> to vector<1x16xf32>
        %swap3A_369 = arith.index_cast %add3A_364 : i32 to index
        %swap3A_370 = arith.constant 16 : index
        %swap3A_371 = tpu.vector_load %arg9[%swap3A_369, %swap3A_370] {strides = array<i32>} : memref<320x32xf32, #tpu.memory_space<vmem>>, vector<1x16xf32>,
        %swap3A_372 = vector.shape_cast %swap3A_371 : vector<1x16xf32> to vector<1x16xf32>
        %swap3A_373 = vector.shape_cast %get3A_368 : vector<1x16xf32> to vector<1x16xf32>
        tpu.vector_store %arg9[%swap3A_369, %swap3A_370], %swap3A_373 {strides = array<i32>} : memref<320x32xf32, #tpu.memory_space<vmem>>, vector<1x16xf32>,
        %add3A_374 = arith.constant 14 : i32
        %add3A_375 = arith.addi %add3A_67, %add3A_374 : i32
        %get3A_376 = arith.index_cast %add3A_375 : i32 to index
        %get3A_377 = arith.constant 0 : index
        %get3A_378 = tpu.vector_load %arg7[%get3A_376, %get3A_377] {strides = array<i32>} : memref<320x128xf32, #tpu.memory_space<vmem>>, vector<1x16xf32>,
        %get3A_379 = vector.shape_cast %get3A_378 : vector<1x16xf32> to vector<1x16xf32>
        %swap3A_380 = arith.index_cast %add3A_375 : i32 to index
        %swap3A_381 = arith.constant 0 : index
        %swap3A_382 = tpu.vector_load %arg9[%swap3A_380, %swap3A_381] {strides = array<i32>} : memref<320x32xf32, #tpu.memory_space<vmem>>, vector<1x16xf32>,
        %swap3A_383 = vector.shape_cast %swap3A_382 : vector<1x16xf32> to vector<1x16xf32>
        %swap3A_384 = vector.shape_cast %get3A_379 : vector<1x16xf32> to vector<1x16xf32>
        tpu.vector_store %arg9[%swap3A_380, %swap3A_381], %swap3A_384 {strides = array<i32>} : memref<320x32xf32, #tpu.memory_space<vmem>>, vector<1x16xf32>,
        %add3A_385 = arith.constant 14 : i32
        %add3A_386 = arith.addi %add3A_67, %add3A_385 : i32
        %get3A_387 = arith.index_cast %add3A_386 : i32 to index
        %get3A_388 = arith.constant 16 : index
        %get3A_389 = tpu.vector_load %arg7[%get3A_387, %get3A_388] {strides = array<i32>} : memref<320x128xf32, #tpu.memory_space<vmem>>, vector<1x16xf32>,
        %get3A_390 = vector.shape_cast %get3A_389 : vector<1x16xf32> to vector<1x16xf32>
        %swap3A_391 = arith.index_cast %add3A_386 : i32 to index
        %swap3A_392 = arith.constant 16 : index
        %swap3A_393 = tpu.vector_load %arg9[%swap3A_391, %swap3A_392] {strides = array<i32>} : memref<320x32xf32, #tpu.memory_space<vmem>>, vector<1x16xf32>,
        %swap3A_394 = vector.shape_cast %swap3A_393 : vector<1x16xf32> to vector<1x16xf32>
        %swap3A_395 = vector.shape_cast %get3A_390 : vector<1x16xf32> to vector<1x16xf32>
        tpu.vector_store %arg9[%swap3A_391, %swap3A_392], %swap3A_395 {strides = array<i32>} : memref<320x32xf32, #tpu.memory_space<vmem>>, vector<1x16xf32>,
        %add3A_396 = arith.constant 15 : i32
        %add3A_397 = arith.addi %add3A_67, %add3A_396 : i32
        %get3A_398 = arith.index_cast %add3A_397 : i32 to index
        %get3A_399 = arith.constant 0 : index
        %get3A_400 = tpu.vector_load %arg7[%get3A_398, %get3A_399] {strides = array<i32>} : memref<320x128xf32, #tpu.memory_space<vmem>>, vector<1x16xf32>,
        %get3A_401 = vector.shape_cast %get3A_400 : vector<1x16xf32> to vector<1x16xf32>
        %swap3A_402 = arith.index_cast %add3A_397 : i32 to index
        %swap3A_403 = arith.constant 0 : index
        %swap3A_404 = tpu.vector_load %arg9[%swap3A_402, %swap3A_403] {strides = array<i32>} : memref<320x32xf32, #tpu.memory_space<vmem>>, vector<1x16xf32>,
        %swap3A_405 = vector.shape_cast %swap3A_404 : vector<1x16xf32> to vector<1x16xf32>
        %swap3A_406 = vector.shape_cast %get3A_401 : vector<1x16xf32> to vector<1x16xf32>
        tpu.vector_store %arg9[%swap3A_402, %swap3A_403], %swap3A_406 {strides = array<i32>} : memref<320x32xf32, #tpu.memory_space<vmem>>, vector<1x16xf32>,
        %add3A_407 = arith.constant 15 : i32
        %add3A_408 = arith.addi %add3A_67, %add3A_407 : i32
        %get3A_409 = arith.index_cast %add3A_408 : i32 to index
        %get3A_410 = arith.constant 16 : index
        %get3A_411 = tpu.vector_load %arg7[%get3A_409, %get3A_410] {strides = array<i32>} : memref<320x128xf32, #tpu.memory_space<vmem>>, vector<1x16xf32>,
        %get3A_412 = vector.shape_cast %get3A_411 : vector<1x16xf32> to vector<1x16xf32>
        %swap3A_413 = arith.index_cast %add3A_408 : i32 to index
        %swap3A_414 = arith.constant 16 : index
        %swap3A_415 = tpu.vector_load %arg9[%swap3A_413, %swap3A_414] {strides = array<i32>} : memref<320x32xf32, #tpu.memory_space<vmem>>, vector<1x16xf32>,
        %swap3A_416 = vector.shape_cast %swap3A_415 : vector<1x16xf32> to vector<1x16xf32>
        %swap3A_417 = vector.shape_cast %get3A_412 : vector<1x16xf32> to vector<1x16xf32>
        tpu.vector_store %arg9[%swap3A_413, %swap3A_414], %swap3A_417 {strides = array<i32>} : memref<320x32xf32, #tpu.memory_space<vmem>>, vector<1x16xf32>,
      }
      %scan3A_42 = arith.constant 20 : i32
      %mul3A_43 = arith.constant 320 : i32
      %mul3A_44 = arith.muli %mul3A_22, %mul3A_43 : i32
      %add3A_45 = arith.addi %mul3A_2, %mul3A_44 : i32
      "tpu.region"() ({
        %run_scoped3A = tpu.sem_alloc : memref<!tpu.dma_semaphore, #tpu.memory_space<semaphore_mem>>
        %dma_start3A_63 = arith.constant 0 : i32
        %dma_start3A_64 = tpu.memref_slice %arg4[%add3A_45, %dma_start3A_63] : memref<819200x32xf32, #tpu.memory_space<hbm>> -> memref<320x32xf32, #tpu.memory_space<hbm>>
        %dma_start3A_65 = arith.constant 0 : i32
        %dma_start3A_66 = tpu.memref_slice %arg4[%add3A_45, %dma_start3A_65] : memref<819200x32xf32, #tpu.memory_space<hbm>> -> memref<320x32xf32, #tpu.memory_space<hbm>>
        tpu.enqueue_dma source(%arg9 : memref<320x32xf32, #tpu.memory_space<vmem>>) target(%dma_start3A_66 : memref<320x32xf32, #tpu.memory_space<hbm>>) target_semaphore(%run_scoped3A : memref<!tpu.dma_semaphore, #tpu.memory_space<semaphore_mem>>)
        %dma_wait3A_67 = arith.constant 0 : i32
        %dma_wait3A_68 = tpu.memref_slice %arg4[%add3A_45, %dma_wait3A_67] : memref<819200x32xf32, #tpu.memory_space<hbm>> -> memref<320x32xf32, #tpu.memory_space<hbm>>
        %dma_wait3A_69 = arith.constant 0 : i32
        %dma_wait3A_70 = tpu.memref_slice %arg4[%add3A_45, %dma_wait3A_69] : memref<819200x32xf32, #tpu.memory_space<hbm>> -> memref<320x32xf32, #tpu.memory_space<hbm>>
        tpu.wait_dma2 semaphore(%run_scoped3A : memref<!tpu.dma_semaphore, #tpu.memory_space<semaphore_mem>>) src(%arg9 : memref<320x32xf32, #tpu.memory_space<vmem>>) dst(%dma_wait3A_70 : memref<320x32xf32, #tpu.memory_space<hbm>>)
        tpu.yield
      }) : () -> ()
      %add3A_46 = arith.constant 2 : i32
      %add3A_47 = arith.addi %mul3A_22, %add3A_46 : i32
      %lt3A = arith.constant 80 : i32
      %lt3A_48 = arith.cmpi slt, %add3A_47, %lt3A : i32
      %convert_element_type3A = arith.extui %lt3A_48 : i1 to i32
      %cond3A = arith.constant 0 : i32
      %cond3A_49 = arith.cmpi ne, %convert_element_type3A, %cond3A : i32
      scf.if %cond3A_49 {
        %add3A_63 = arith.constant 2 : i32
        %add3A_64 = arith.addi %mul3A_22, %add3A_63 : i32
        %mul3A_65 = arith.constant 320 : i32
        %mul3A_66 = arith.muli %add3A_64, %mul3A_65 : i32
        %add3A_67 = arith.addi %mul3A_2, %mul3A_66 : i32
        "tpu.region"() ({
          %run_scoped3A = tpu.sem_alloc : memref<!tpu.dma_semaphore, #tpu.memory_space<semaphore_mem>>
          %dma_start3A_76 = tpu.memref_slice %arg3[%add3A_67] : memref<819200xi32, #tpu.memory_space<hbm>> -> memref<320xi32, #tpu.memory_space<hbm>>
          %dma_start3A_77 = tpu.memref_slice %arg3[%add3A_67] : memref<819200xi32, #tpu.memory_space<hbm>> -> memref<320xi32, #tpu.memory_space<hbm>>
          tpu.enqueue_dma source(%dma_start3A_77 : memref<320xi32, #tpu.memory_space<hbm>>) target(%arg5 : memref<320xi32, #tpu.memory_space<vmem>>) target_semaphore(%run_scoped3A : memref<!tpu.dma_semaphore, #tpu.memory_space<semaphore_mem>>)
          %dma_wait3A_78 = tpu.memref_slice %arg3[%add3A_67] : memref<819200xi32, #tpu.memory_space<hbm>> -> memref<320xi32, #tpu.memory_space<hbm>>
          %dma_wait3A_79 = tpu.memref_slice %arg3[%add3A_67] : memref<819200xi32, #tpu.memory_space<hbm>> -> memref<320xi32, #tpu.memory_space<hbm>>
          tpu.wait_dma2 semaphore(%run_scoped3A : memref<!tpu.dma_semaphore, #tpu.memory_space<semaphore_mem>>) src(%dma_wait3A_79 : memref<320xi32, #tpu.memory_space<hbm>>) dst(%arg5 : memref<320xi32, #tpu.memory_space<vmem>>)
          tpu.yield
        }) : () -> ()
        %scan3A_68 = arith.constant 0 : i32
        %scan3A_69 = arith.constant 20 : i32
        %scan3A_70 = arith.addi %scan3A_68, %scan3A_69 : i32
        %scan3A_71 = arith.constant 1 : i32
        scf.for %scan3A_76 = %scan3A_68 to %scan3A_70 step %scan3A_71  : i32 {
          %mul3A_77 = arith.constant 16 : i32
          %mul3A_78 = arith.muli %scan3A_76, %mul3A_77 : i32
          %add3A_79 = arith.constant 0 : i32
          %add3A_80 = arith.addi %add3A_79, %mul3A_78 : i32
          %get3A = arith.index_cast %add3A_80 : i32 to index
          %get3A_81 = tpu.vector_load %arg5[%get3A] {strides = array<i32>} : memref<320xi32, #tpu.memory_space<vmem>>, vector<16xi32>,
          %get3A_82 = vector.shape_cast %get3A_81 : vector<16xi32> to vector<16xi32>
          %max3A = arith.constant 0 : i32
          %max3A_83 = vector.broadcast %max3A : i32 to vector<16xi32>
          %max3A_84 = arith.maxsi %get3A_82, %max3A_83 : vector<16xi32>
          %swap3A = arith.index_cast %add3A_80 : i32 to index
          %swap3A_85 = tpu.vector_load %arg5[%swap3A] {strides = array<i32>} : memref<320xi32, #tpu.memory_space<vmem>>, vector<16xi32>,
          %swap3A_86 = vector.shape_cast %swap3A_85 : vector<16xi32> to vector<16xi32>
          %swap3A_87 = vector.shape_cast %max3A_84 : vector<16xi32> to vector<16xi32>
          tpu.vector_store %arg5[%swap3A], %swap3A_87 {strides = array<i32>} : memref<320xi32, #tpu.memory_space<vmem>>, vector<16xi32>,
        }
        %scan3A_72 = arith.constant 20 : i32
        %dma_start3A_73 = arith.constant 0 : i32
        %dma_start3A_74 = arith.constant 0 : i32
        %dma_start3A_75 = tpu.memref_slice %arg2[%dma_start3A_73, %dma_start3A_74] : memref<1000000x128xf32, #tpu.memory_space<hbm>> -> memref<1000000x128xf32, #tpu.memory_space<hbm>>
        tpu.enqueue_indirect_dma source(%dma_start3A_75 : memref<1000000x128xf32, #tpu.memory_space<hbm>>) target(%arg7 : memref<320x128xf32, #tpu.memory_space<vmem>>) offsets(%arg5 : memref<320xi32, #tpu.memory_space<vmem>>) semaphore(%arg10 : memref<!tpu.dma_semaphore, #tpu.memory_space<semaphore_mem>>)
      } else {
      }
      %add3A_50 = arith.constant 1 : i32
      %add3A_51 = arith.addi %mul3A_22, %add3A_50 : i32
      %dma_wait3A_52 = arith.constant 0 : i32
      %dma_wait3A_53 = arith.constant 0 : i32
      %dma_wait3A_54 = tpu.memref_slice %arg2[%dma_wait3A_52, %dma_wait3A_53] : memref<1000000x128xf32, #tpu.memory_space<hbm>> -> memref<1000000x128xf32, #tpu.memory_space<hbm>>
      tpu.wait_indirect_dma semaphore(%arg11 : memref<!tpu.dma_semaphore, #tpu.memory_space<semaphore_mem>>) src(%dma_wait3A_54 : memref<1000000x128xf32, #tpu.memory_space<hbm>>) dst(%arg8 : memref<320x128xf32, #tpu.memory_space<vmem>>)
      %scan3A_55 = arith.constant 0 : i32
      %scan3A_56 = arith.constant 20 : i32
      %scan3A_57 = arith.addi %scan3A_55, %scan3A_56 : i32
      %scan3A_58 = arith.constant 1 : i32
      scf.for %scan3A_63 = %scan3A_55 to %scan3A_57 step %scan3A_58  : i32 {
        %mul3A_64 = arith.constant 16 : i32
        %mul3A_65 = arith.muli %scan3A_63, %mul3A_64 : i32
        %add3A_66 = arith.constant 0 : i32
        %add3A_67 = arith.addi %add3A_66, %mul3A_65 : i32
        %add3A_68 = arith.constant 0 : i32
        %add3A_69 = arith.addi %add3A_67, %add3A_68 : i32
        %get3A = arith.index_cast %add3A_69 : i32 to index
        %get3A_70 = arith.constant 0 : index
        %get3A_71 = tpu.vector_load %arg8[%get3A, %get3A_70] {strides = array<i32>} : memref<320x128xf32, #tpu.memory_space<vmem>>, vector<1x16xf32>,
        %get3A_72 = vector.shape_cast %get3A_71 : vector<1x16xf32> to vector<1x16xf32>
        %swap3A = arith.index_cast %add3A_69 : i32 to index
        %swap3A_73 = arith.constant 0 : index
        %swap3A_74 = tpu.vector_load %arg9[%swap3A, %swap3A_73] {strides = array<i32>} : memref<320x32xf32, #tpu.memory_space<vmem>>, vector<1x16xf32>,
        %swap3A_75 = vector.shape_cast %swap3A_74 : vector<1x16xf32> to vector<1x16xf32>
        %swap3A_76 = vector.shape_cast %get3A_72 : vector<1x16xf32> to vector<1x16xf32>
        tpu.vector_store %arg9[%swap3A, %swap3A_73], %swap3A_76 {strides = array<i32>} : memref<320x32xf32, #tpu.memory_space<vmem>>, vector<1x16xf32>,
        %add3A_77 = arith.constant 0 : i32
        %add3A_78 = arith.addi %add3A_67, %add3A_77 : i32
        %get3A_79 = arith.index_cast %add3A_78 : i32 to index
        %get3A_80 = arith.constant 16 : index
        %get3A_81 = tpu.vector_load %arg8[%get3A_79, %get3A_80] {strides = array<i32>} : memref<320x128xf32, #tpu.memory_space<vmem>>, vector<1x16xf32>,
        %get3A_82 = vector.shape_cast %get3A_81 : vector<1x16xf32> to vector<1x16xf32>
        %swap3A_83 = arith.index_cast %add3A_78 : i32 to index
        %swap3A_84 = arith.constant 16 : index
        %swap3A_85 = tpu.vector_load %arg9[%swap3A_83, %swap3A_84] {strides = array<i32>} : memref<320x32xf32, #tpu.memory_space<vmem>>, vector<1x16xf32>,
        %swap3A_86 = vector.shape_cast %swap3A_85 : vector<1x16xf32> to vector<1x16xf32>
        %swap3A_87 = vector.shape_cast %get3A_82 : vector<1x16xf32> to vector<1x16xf32>
        tpu.vector_store %arg9[%swap3A_83, %swap3A_84], %swap3A_87 {strides = array<i32>} : memref<320x32xf32, #tpu.memory_space<vmem>>, vector<1x16xf32>,
        %add3A_88 = arith.constant 1 : i32
        %add3A_89 = arith.addi %add3A_67, %add3A_88 : i32
        %get3A_90 = arith.index_cast %add3A_89 : i32 to index
        %get3A_91 = arith.constant 0 : index
        %get3A_92 = tpu.vector_load %arg8[%get3A_90, %get3A_91] {strides = array<i32>} : memref<320x128xf32, #tpu.memory_space<vmem>>, vector<1x16xf32>,
        %get3A_93 = vector.shape_cast %get3A_92 : vector<1x16xf32> to vector<1x16xf32>
        %swap3A_94 = arith.index_cast %add3A_89 : i32 to index
        %swap3A_95 = arith.constant 0 : index
        %swap3A_96 = tpu.vector_load %arg9[%swap3A_94, %swap3A_95] {strides = array<i32>} : memref<320x32xf32, #tpu.memory_space<vmem>>, vector<1x16xf32>,
        %swap3A_97 = vector.shape_cast %swap3A_96 : vector<1x16xf32> to vector<1x16xf32>
        %swap3A_98 = vector.shape_cast %get3A_93 : vector<1x16xf32> to vector<1x16xf32>
        tpu.vector_store %arg9[%swap3A_94, %swap3A_95], %swap3A_98 {strides = array<i32>} : memref<320x32xf32, #tpu.memory_space<vmem>>, vector<1x16xf32>,
        %add3A_99 = arith.constant 1 : i32
        %add3A_100 = arith.addi %add3A_67, %add3A_99 : i32
        %get3A_101 = arith.index_cast %add3A_100 : i32 to index
        %get3A_102 = arith.constant 16 : index
        %get3A_103 = tpu.vector_load %arg8[%get3A_101, %get3A_102] {strides = array<i32>} : memref<320x128xf32, #tpu.memory_space<vmem>>, vector<1x16xf32>,
        %get3A_104 = vector.shape_cast %get3A_103 : vector<1x16xf32> to vector<1x16xf32>
        %swap3A_105 = arith.index_cast %add3A_100 : i32 to index
        %swap3A_106 = arith.constant 16 : index
        %swap3A_107 = tpu.vector_load %arg9[%swap3A_105, %swap3A_106] {strides = array<i32>} : memref<320x32xf32, #tpu.memory_space<vmem>>, vector<1x16xf32>,
        %swap3A_108 = vector.shape_cast %swap3A_107 : vector<1x16xf32> to vector<1x16xf32>
        %swap3A_109 = vector.shape_cast %get3A_104 : vector<1x16xf32> to vector<1x16xf32>
        tpu.vector_store %arg9[%swap3A_105, %swap3A_106], %swap3A_109 {strides = array<i32>} : memref<320x32xf32, #tpu.memory_space<vmem>>, vector<1x16xf32>,
        %add3A_110 = arith.constant 2 : i32
        %add3A_111 = arith.addi %add3A_67, %add3A_110 : i32
        %get3A_112 = arith.index_cast %add3A_111 : i32 to index
        %get3A_113 = arith.constant 0 : index
        %get3A_114 = tpu.vector_load %arg8[%get3A_112, %get3A_113] {strides = array<i32>} : memref<320x128xf32, #tpu.memory_space<vmem>>, vector<1x16xf32>,
        %get3A_115 = vector.shape_cast %get3A_114 : vector<1x16xf32> to vector<1x16xf32>
        %swap3A_116 = arith.index_cast %add3A_111 : i32 to index
        %swap3A_117 = arith.constant 0 : index
        %swap3A_118 = tpu.vector_load %arg9[%swap3A_116, %swap3A_117] {strides = array<i32>} : memref<320x32xf32, #tpu.memory_space<vmem>>, vector<1x16xf32>,
        %swap3A_119 = vector.shape_cast %swap3A_118 : vector<1x16xf32> to vector<1x16xf32>
        %swap3A_120 = vector.shape_cast %get3A_115 : vector<1x16xf32> to vector<1x16xf32>
        tpu.vector_store %arg9[%swap3A_116, %swap3A_117], %swap3A_120 {strides = array<i32>} : memref<320x32xf32, #tpu.memory_space<vmem>>, vector<1x16xf32>,
        %add3A_121 = arith.constant 2 : i32
        %add3A_122 = arith.addi %add3A_67, %add3A_121 : i32
        %get3A_123 = arith.index_cast %add3A_122 : i32 to index
        %get3A_124 = arith.constant 16 : index
        %get3A_125 = tpu.vector_load %arg8[%get3A_123, %get3A_124] {strides = array<i32>} : memref<320x128xf32, #tpu.memory_space<vmem>>, vector<1x16xf32>,
        %get3A_126 = vector.shape_cast %get3A_125 : vector<1x16xf32> to vector<1x16xf32>
        %swap3A_127 = arith.index_cast %add3A_122 : i32 to index
        %swap3A_128 = arith.constant 16 : index
        %swap3A_129 = tpu.vector_load %arg9[%swap3A_127, %swap3A_128] {strides = array<i32>} : memref<320x32xf32, #tpu.memory_space<vmem>>, vector<1x16xf32>,
        %swap3A_130 = vector.shape_cast %swap3A_129 : vector<1x16xf32> to vector<1x16xf32>
        %swap3A_131 = vector.shape_cast %get3A_126 : vector<1x16xf32> to vector<1x16xf32>
        tpu.vector_store %arg9[%swap3A_127, %swap3A_128], %swap3A_131 {strides = array<i32>} : memref<320x32xf32, #tpu.memory_space<vmem>>, vector<1x16xf32>,
        %add3A_132 = arith.constant 3 : i32
        %add3A_133 = arith.addi %add3A_67, %add3A_132 : i32
        %get3A_134 = arith.index_cast %add3A_133 : i32 to index
        %get3A_135 = arith.constant 0 : index
        %get3A_136 = tpu.vector_load %arg8[%get3A_134, %get3A_135] {strides = array<i32>} : memref<320x128xf32, #tpu.memory_space<vmem>>, vector<1x16xf32>,
        %get3A_137 = vector.shape_cast %get3A_136 : vector<1x16xf32> to vector<1x16xf32>
        %swap3A_138 = arith.index_cast %add3A_133 : i32 to index
        %swap3A_139 = arith.constant 0 : index
        %swap3A_140 = tpu.vector_load %arg9[%swap3A_138, %swap3A_139] {strides = array<i32>} : memref<320x32xf32, #tpu.memory_space<vmem>>, vector<1x16xf32>,
        %swap3A_141 = vector.shape_cast %swap3A_140 : vector<1x16xf32> to vector<1x16xf32>
        %swap3A_142 = vector.shape_cast %get3A_137 : vector<1x16xf32> to vector<1x16xf32>
        tpu.vector_store %arg9[%swap3A_138, %swap3A_139], %swap3A_142 {strides = array<i32>} : memref<320x32xf32, #tpu.memory_space<vmem>>, vector<1x16xf32>,
        %add3A_143 = arith.constant 3 : i32
        %add3A_144 = arith.addi %add3A_67, %add3A_143 : i32
        %get3A_145 = arith.index_cast %add3A_144 : i32 to index
        %get3A_146 = arith.constant 16 : index
        %get3A_147 = tpu.vector_load %arg8[%get3A_145, %get3A_146] {strides = array<i32>} : memref<320x128xf32, #tpu.memory_space<vmem>>, vector<1x16xf32>,
        %get3A_148 = vector.shape_cast %get3A_147 : vector<1x16xf32> to vector<1x16xf32>
        %swap3A_149 = arith.index_cast %add3A_144 : i32 to index
        %swap3A_150 = arith.constant 16 : index
        %swap3A_151 = tpu.vector_load %arg9[%swap3A_149, %swap3A_150] {strides = array<i32>} : memref<320x32xf32, #tpu.memory_space<vmem>>, vector<1x16xf32>,
        %swap3A_152 = vector.shape_cast %swap3A_151 : vector<1x16xf32> to vector<1x16xf32>
        %swap3A_153 = vector.shape_cast %get3A_148 : vector<1x16xf32> to vector<1x16xf32>
        tpu.vector_store %arg9[%swap3A_149, %swap3A_150], %swap3A_153 {strides = array<i32>} : memref<320x32xf32, #tpu.memory_space<vmem>>, vector<1x16xf32>,
        %add3A_154 = arith.constant 4 : i32
        %add3A_155 = arith.addi %add3A_67, %add3A_154 : i32
        %get3A_156 = arith.index_cast %add3A_155 : i32 to index
        %get3A_157 = arith.constant 0 : index
        %get3A_158 = tpu.vector_load %arg8[%get3A_156, %get3A_157] {strides = array<i32>} : memref<320x128xf32, #tpu.memory_space<vmem>>, vector<1x16xf32>,
        %get3A_159 = vector.shape_cast %get3A_158 : vector<1x16xf32> to vector<1x16xf32>
        %swap3A_160 = arith.index_cast %add3A_155 : i32 to index
        %swap3A_161 = arith.constant 0 : index
        %swap3A_162 = tpu.vector_load %arg9[%swap3A_160, %swap3A_161] {strides = array<i32>} : memref<320x32xf32, #tpu.memory_space<vmem>>, vector<1x16xf32>,
        %swap3A_163 = vector.shape_cast %swap3A_162 : vector<1x16xf32> to vector<1x16xf32>
        %swap3A_164 = vector.shape_cast %get3A_159 : vector<1x16xf32> to vector<1x16xf32>
        tpu.vector_store %arg9[%swap3A_160, %swap3A_161], %swap3A_164 {strides = array<i32>} : memref<320x32xf32, #tpu.memory_space<vmem>>, vector<1x16xf32>,
        %add3A_165 = arith.constant 4 : i32
        %add3A_166 = arith.addi %add3A_67, %add3A_165 : i32
        %get3A_167 = arith.index_cast %add3A_166 : i32 to index
        %get3A_168 = arith.constant 16 : index
        %get3A_169 = tpu.vector_load %arg8[%get3A_167, %get3A_168] {strides = array<i32>} : memref<320x128xf32, #tpu.memory_space<vmem>>, vector<1x16xf32>,
        %get3A_170 = vector.shape_cast %get3A_169 : vector<1x16xf32> to vector<1x16xf32>
        %swap3A_171 = arith.index_cast %add3A_166 : i32 to index
        %swap3A_172 = arith.constant 16 : index
        %swap3A_173 = tpu.vector_load %arg9[%swap3A_171, %swap3A_172] {strides = array<i32>} : memref<320x32xf32, #tpu.memory_space<vmem>>, vector<1x16xf32>,
        %swap3A_174 = vector.shape_cast %swap3A_173 : vector<1x16xf32> to vector<1x16xf32>
        %swap3A_175 = vector.shape_cast %get3A_170 : vector<1x16xf32> to vector<1x16xf32>
        tpu.vector_store %arg9[%swap3A_171, %swap3A_172], %swap3A_175 {strides = array<i32>} : memref<320x32xf32, #tpu.memory_space<vmem>>, vector<1x16xf32>,
        %add3A_176 = arith.constant 5 : i32
        %add3A_177 = arith.addi %add3A_67, %add3A_176 : i32
        %get3A_178 = arith.index_cast %add3A_177 : i32 to index
        %get3A_179 = arith.constant 0 : index
        %get3A_180 = tpu.vector_load %arg8[%get3A_178, %get3A_179] {strides = array<i32>} : memref<320x128xf32, #tpu.memory_space<vmem>>, vector<1x16xf32>,
        %get3A_181 = vector.shape_cast %get3A_180 : vector<1x16xf32> to vector<1x16xf32>
        %swap3A_182 = arith.index_cast %add3A_177 : i32 to index
        %swap3A_183 = arith.constant 0 : index
        %swap3A_184 = tpu.vector_load %arg9[%swap3A_182, %swap3A_183] {strides = array<i32>} : memref<320x32xf32, #tpu.memory_space<vmem>>, vector<1x16xf32>,
        %swap3A_185 = vector.shape_cast %swap3A_184 : vector<1x16xf32> to vector<1x16xf32>
        %swap3A_186 = vector.shape_cast %get3A_181 : vector<1x16xf32> to vector<1x16xf32>
        tpu.vector_store %arg9[%swap3A_182, %swap3A_183], %swap3A_186 {strides = array<i32>} : memref<320x32xf32, #tpu.memory_space<vmem>>, vector<1x16xf32>,
        %add3A_187 = arith.constant 5 : i32
        %add3A_188 = arith.addi %add3A_67, %add3A_187 : i32
        %get3A_189 = arith.index_cast %add3A_188 : i32 to index
        %get3A_190 = arith.constant 16 : index
        %get3A_191 = tpu.vector_load %arg8[%get3A_189, %get3A_190] {strides = array<i32>} : memref<320x128xf32, #tpu.memory_space<vmem>>, vector<1x16xf32>,
        %get3A_192 = vector.shape_cast %get3A_191 : vector<1x16xf32> to vector<1x16xf32>
        %swap3A_193 = arith.index_cast %add3A_188 : i32 to index
        %swap3A_194 = arith.constant 16 : index
        %swap3A_195 = tpu.vector_load %arg9[%swap3A_193, %swap3A_194] {strides = array<i32>} : memref<320x32xf32, #tpu.memory_space<vmem>>, vector<1x16xf32>,
        %swap3A_196 = vector.shape_cast %swap3A_195 : vector<1x16xf32> to vector<1x16xf32>
        %swap3A_197 = vector.shape_cast %get3A_192 : vector<1x16xf32> to vector<1x16xf32>
        tpu.vector_store %arg9[%swap3A_193, %swap3A_194], %swap3A_197 {strides = array<i32>} : memref<320x32xf32, #tpu.memory_space<vmem>>, vector<1x16xf32>,
        %add3A_198 = arith.constant 6 : i32
        %add3A_199 = arith.addi %add3A_67, %add3A_198 : i32
        %get3A_200 = arith.index_cast %add3A_199 : i32 to index
        %get3A_201 = arith.constant 0 : index
        %get3A_202 = tpu.vector_load %arg8[%get3A_200, %get3A_201] {strides = array<i32>} : memref<320x128xf32, #tpu.memory_space<vmem>>, vector<1x16xf32>,
        %get3A_203 = vector.shape_cast %get3A_202 : vector<1x16xf32> to vector<1x16xf32>
        %swap3A_204 = arith.index_cast %add3A_199 : i32 to index
        %swap3A_205 = arith.constant 0 : index
        %swap3A_206 = tpu.vector_load %arg9[%swap3A_204, %swap3A_205] {strides = array<i32>} : memref<320x32xf32, #tpu.memory_space<vmem>>, vector<1x16xf32>,
        %swap3A_207 = vector.shape_cast %swap3A_206 : vector<1x16xf32> to vector<1x16xf32>
        %swap3A_208 = vector.shape_cast %get3A_203 : vector<1x16xf32> to vector<1x16xf32>
        tpu.vector_store %arg9[%swap3A_204, %swap3A_205], %swap3A_208 {strides = array<i32>} : memref<320x32xf32, #tpu.memory_space<vmem>>, vector<1x16xf32>,
        %add3A_209 = arith.constant 6 : i32
        %add3A_210 = arith.addi %add3A_67, %add3A_209 : i32
        %get3A_211 = arith.index_cast %add3A_210 : i32 to index
        %get3A_212 = arith.constant 16 : index
        %get3A_213 = tpu.vector_load %arg8[%get3A_211, %get3A_212] {strides = array<i32>} : memref<320x128xf32, #tpu.memory_space<vmem>>, vector<1x16xf32>,
        %get3A_214 = vector.shape_cast %get3A_213 : vector<1x16xf32> to vector<1x16xf32>
        %swap3A_215 = arith.index_cast %add3A_210 : i32 to index
        %swap3A_216 = arith.constant 16 : index
        %swap3A_217 = tpu.vector_load %arg9[%swap3A_215, %swap3A_216] {strides = array<i32>} : memref<320x32xf32, #tpu.memory_space<vmem>>, vector<1x16xf32>,
        %swap3A_218 = vector.shape_cast %swap3A_217 : vector<1x16xf32> to vector<1x16xf32>
        %swap3A_219 = vector.shape_cast %get3A_214 : vector<1x16xf32> to vector<1x16xf32>
        tpu.vector_store %arg9[%swap3A_215, %swap3A_216], %swap3A_219 {strides = array<i32>} : memref<320x32xf32, #tpu.memory_space<vmem>>, vector<1x16xf32>,
        %add3A_220 = arith.constant 7 : i32
        %add3A_221 = arith.addi %add3A_67, %add3A_220 : i32
        %get3A_222 = arith.index_cast %add3A_221 : i32 to index
        %get3A_223 = arith.constant 0 : index
        %get3A_224 = tpu.vector_load %arg8[%get3A_222, %get3A_223] {strides = array<i32>} : memref<320x128xf32, #tpu.memory_space<vmem>>, vector<1x16xf32>,
        %get3A_225 = vector.shape_cast %get3A_224 : vector<1x16xf32> to vector<1x16xf32>
        %swap3A_226 = arith.index_cast %add3A_221 : i32 to index
        %swap3A_227 = arith.constant 0 : index
        %swap3A_228 = tpu.vector_load %arg9[%swap3A_226, %swap3A_227] {strides = array<i32>} : memref<320x32xf32, #tpu.memory_space<vmem>>, vector<1x16xf32>,
        %swap3A_229 = vector.shape_cast %swap3A_228 : vector<1x16xf32> to vector<1x16xf32>
        %swap3A_230 = vector.shape_cast %get3A_225 : vector<1x16xf32> to vector<1x16xf32>
        tpu.vector_store %arg9[%swap3A_226, %swap3A_227], %swap3A_230 {strides = array<i32>} : memref<320x32xf32, #tpu.memory_space<vmem>>, vector<1x16xf32>,
        %add3A_231 = arith.constant 7 : i32
        %add3A_232 = arith.addi %add3A_67, %add3A_231 : i32
        %get3A_233 = arith.index_cast %add3A_232 : i32 to index
        %get3A_234 = arith.constant 16 : index
        %get3A_235 = tpu.vector_load %arg8[%get3A_233, %get3A_234] {strides = array<i32>} : memref<320x128xf32, #tpu.memory_space<vmem>>, vector<1x16xf32>,
        %get3A_236 = vector.shape_cast %get3A_235 : vector<1x16xf32> to vector<1x16xf32>
        %swap3A_237 = arith.index_cast %add3A_232 : i32 to index
        %swap3A_238 = arith.constant 16 : index
        %swap3A_239 = tpu.vector_load %arg9[%swap3A_237, %swap3A_238] {strides = array<i32>} : memref<320x32xf32, #tpu.memory_space<vmem>>, vector<1x16xf32>,
        %swap3A_240 = vector.shape_cast %swap3A_239 : vector<1x16xf32> to vector<1x16xf32>
        %swap3A_241 = vector.shape_cast %get3A_236 : vector<1x16xf32> to vector<1x16xf32>
        tpu.vector_store %arg9[%swap3A_237, %swap3A_238], %swap3A_241 {strides = array<i32>} : memref<320x32xf32, #tpu.memory_space<vmem>>, vector<1x16xf32>,
        %add3A_242 = arith.constant 8 : i32
        %add3A_243 = arith.addi %add3A_67, %add3A_242 : i32
        %get3A_244 = arith.index_cast %add3A_243 : i32 to index
        %get3A_245 = arith.constant 0 : index
        %get3A_246 = tpu.vector_load %arg8[%get3A_244, %get3A_245] {strides = array<i32>} : memref<320x128xf32, #tpu.memory_space<vmem>>, vector<1x16xf32>,
        %get3A_247 = vector.shape_cast %get3A_246 : vector<1x16xf32> to vector<1x16xf32>
        %swap3A_248 = arith.index_cast %add3A_243 : i32 to index
        %swap3A_249 = arith.constant 0 : index
        %swap3A_250 = tpu.vector_load %arg9[%swap3A_248, %swap3A_249] {strides = array<i32>} : memref<320x32xf32, #tpu.memory_space<vmem>>, vector<1x16xf32>,
        %swap3A_251 = vector.shape_cast %swap3A_250 : vector<1x16xf32> to vector<1x16xf32>
        %swap3A_252 = vector.shape_cast %get3A_247 : vector<1x16xf32> to vector<1x16xf32>
        tpu.vector_store %arg9[%swap3A_248, %swap3A_249], %swap3A_252 {strides = array<i32>} : memref<320x32xf32, #tpu.memory_space<vmem>>, vector<1x16xf32>,
        %add3A_253 = arith.constant 8 : i32
        %add3A_254 = arith.addi %add3A_67, %add3A_253 : i32
        %get3A_255 = arith.index_cast %add3A_254 : i32 to index
        %get3A_256 = arith.constant 16 : index
        %get3A_257 = tpu.vector_load %arg8[%get3A_255, %get3A_256] {strides = array<i32>} : memref<320x128xf32, #tpu.memory_space<vmem>>, vector<1x16xf32>,
        %get3A_258 = vector.shape_cast %get3A_257 : vector<1x16xf32> to vector<1x16xf32>
        %swap3A_259 = arith.index_cast %add3A_254 : i32 to index
        %swap3A_260 = arith.constant 16 : index
        %swap3A_261 = tpu.vector_load %arg9[%swap3A_259, %swap3A_260] {strides = array<i32>} : memref<320x32xf32, #tpu.memory_space<vmem>>, vector<1x16xf32>,
        %swap3A_262 = vector.shape_cast %swap3A_261 : vector<1x16xf32> to vector<1x16xf32>
        %swap3A_263 = vector.shape_cast %get3A_258 : vector<1x16xf32> to vector<1x16xf32>
        tpu.vector_store %arg9[%swap3A_259, %swap3A_260], %swap3A_263 {strides = array<i32>} : memref<320x32xf32, #tpu.memory_space<vmem>>, vector<1x16xf32>,
        %add3A_264 = arith.constant 9 : i32
        %add3A_265 = arith.addi %add3A_67, %add3A_264 : i32
        %get3A_266 = arith.index_cast %add3A_265 : i32 to index
        %get3A_267 = arith.constant 0 : index
        %get3A_268 = tpu.vector_load %arg8[%get3A_266, %get3A_267] {strides = array<i32>} : memref<320x128xf32, #tpu.memory_space<vmem>>, vector<1x16xf32>,
        %get3A_269 = vector.shape_cast %get3A_268 : vector<1x16xf32> to vector<1x16xf32>
        %swap3A_270 = arith.index_cast %add3A_265 : i32 to index
        %swap3A_271 = arith.constant 0 : index
        %swap3A_272 = tpu.vector_load %arg9[%swap3A_270, %swap3A_271] {strides = array<i32>} : memref<320x32xf32, #tpu.memory_space<vmem>>, vector<1x16xf32>,
        %swap3A_273 = vector.shape_cast %swap3A_272 : vector<1x16xf32> to vector<1x16xf32>
        %swap3A_274 = vector.shape_cast %get3A_269 : vector<1x16xf32> to vector<1x16xf32>
        tpu.vector_store %arg9[%swap3A_270, %swap3A_271], %swap3A_274 {strides = array<i32>} : memref<320x32xf32, #tpu.memory_space<vmem>>, vector<1x16xf32>,
        %add3A_275 = arith.constant 9 : i32
        %add3A_276 = arith.addi %add3A_67, %add3A_275 : i32
        %get3A_277 = arith.index_cast %add3A_276 : i32 to index
        %get3A_278 = arith.constant 16 : index
        %get3A_279 = tpu.vector_load %arg8[%get3A_277, %get3A_278] {strides = array<i32>} : memref<320x128xf32, #tpu.memory_space<vmem>>, vector<1x16xf32>,
        %get3A_280 = vector.shape_cast %get3A_279 : vector<1x16xf32> to vector<1x16xf32>
        %swap3A_281 = arith.index_cast %add3A_276 : i32 to index
        %swap3A_282 = arith.constant 16 : index
        %swap3A_283 = tpu.vector_load %arg9[%swap3A_281, %swap3A_282] {strides = array<i32>} : memref<320x32xf32, #tpu.memory_space<vmem>>, vector<1x16xf32>,
        %swap3A_284 = vector.shape_cast %swap3A_283 : vector<1x16xf32> to vector<1x16xf32>
        %swap3A_285 = vector.shape_cast %get3A_280 : vector<1x16xf32> to vector<1x16xf32>
        tpu.vector_store %arg9[%swap3A_281, %swap3A_282], %swap3A_285 {strides = array<i32>} : memref<320x32xf32, #tpu.memory_space<vmem>>, vector<1x16xf32>,
        %add3A_286 = arith.constant 10 : i32
        %add3A_287 = arith.addi %add3A_67, %add3A_286 : i32
        %get3A_288 = arith.index_cast %add3A_287 : i32 to index
        %get3A_289 = arith.constant 0 : index
        %get3A_290 = tpu.vector_load %arg8[%get3A_288, %get3A_289] {strides = array<i32>} : memref<320x128xf32, #tpu.memory_space<vmem>>, vector<1x16xf32>,
        %get3A_291 = vector.shape_cast %get3A_290 : vector<1x16xf32> to vector<1x16xf32>
        %swap3A_292 = arith.index_cast %add3A_287 : i32 to index
        %swap3A_293 = arith.constant 0 : index
        %swap3A_294 = tpu.vector_load %arg9[%swap3A_292, %swap3A_293] {strides = array<i32>} : memref<320x32xf32, #tpu.memory_space<vmem>>, vector<1x16xf32>,
        %swap3A_295 = vector.shape_cast %swap3A_294 : vector<1x16xf32> to vector<1x16xf32>
        %swap3A_296 = vector.shape_cast %get3A_291 : vector<1x16xf32> to vector<1x16xf32>
        tpu.vector_store %arg9[%swap3A_292, %swap3A_293], %swap3A_296 {strides = array<i32>} : memref<320x32xf32, #tpu.memory_space<vmem>>, vector<1x16xf32>,
        %add3A_297 = arith.constant 10 : i32
        %add3A_298 = arith.addi %add3A_67, %add3A_297 : i32
        %get3A_299 = arith.index_cast %add3A_298 : i32 to index
        %get3A_300 = arith.constant 16 : index
        %get3A_301 = tpu.vector_load %arg8[%get3A_299, %get3A_300] {strides = array<i32>} : memref<320x128xf32, #tpu.memory_space<vmem>>, vector<1x16xf32>,
        %get3A_302 = vector.shape_cast %get3A_301 : vector<1x16xf32> to vector<1x16xf32>
        %swap3A_303 = arith.index_cast %add3A_298 : i32 to index
        %swap3A_304 = arith.constant 16 : index
        %swap3A_305 = tpu.vector_load %arg9[%swap3A_303, %swap3A_304] {strides = array<i32>} : memref<320x32xf32, #tpu.memory_space<vmem>>, vector<1x16xf32>,
        %swap3A_306 = vector.shape_cast %swap3A_305 : vector<1x16xf32> to vector<1x16xf32>
        %swap3A_307 = vector.shape_cast %get3A_302 : vector<1x16xf32> to vector<1x16xf32>
        tpu.vector_store %arg9[%swap3A_303, %swap3A_304], %swap3A_307 {strides = array<i32>} : memref<320x32xf32, #tpu.memory_space<vmem>>, vector<1x16xf32>,
        %add3A_308 = arith.constant 11 : i32
        %add3A_309 = arith.addi %add3A_67, %add3A_308 : i32
        %get3A_310 = arith.index_cast %add3A_309 : i32 to index
        %get3A_311 = arith.constant 0 : index
        %get3A_312 = tpu.vector_load %arg8[%get3A_310, %get3A_311] {strides = array<i32>} : memref<320x128xf32, #tpu.memory_space<vmem>>, vector<1x16xf32>,
        %get3A_313 = vector.shape_cast %get3A_312 : vector<1x16xf32> to vector<1x16xf32>
        %swap3A_314 = arith.index_cast %add3A_309 : i32 to index
        %swap3A_315 = arith.constant 0 : index
        %swap3A_316 = tpu.vector_load %arg9[%swap3A_314, %swap3A_315] {strides = array<i32>} : memref<320x32xf32, #tpu.memory_space<vmem>>, vector<1x16xf32>,
        %swap3A_317 = vector.shape_cast %swap3A_316 : vector<1x16xf32> to vector<1x16xf32>
        %swap3A_318 = vector.shape_cast %get3A_313 : vector<1x16xf32> to vector<1x16xf32>
        tpu.vector_store %arg9[%swap3A_314, %swap3A_315], %swap3A_318 {strides = array<i32>} : memref<320x32xf32, #tpu.memory_space<vmem>>, vector<1x16xf32>,
        %add3A_319 = arith.constant 11 : i32
        %add3A_320 = arith.addi %add3A_67, %add3A_319 : i32
        %get3A_321 = arith.index_cast %add3A_320 : i32 to index
        %get3A_322 = arith.constant 16 : index
        %get3A_323 = tpu.vector_load %arg8[%get3A_321, %get3A_322] {strides = array<i32>} : memref<320x128xf32, #tpu.memory_space<vmem>>, vector<1x16xf32>,
        %get3A_324 = vector.shape_cast %get3A_323 : vector<1x16xf32> to vector<1x16xf32>
        %swap3A_325 = arith.index_cast %add3A_320 : i32 to index
        %swap3A_326 = arith.constant 16 : index
        %swap3A_327 = tpu.vector_load %arg9[%swap3A_325, %swap3A_326] {strides = array<i32>} : memref<320x32xf32, #tpu.memory_space<vmem>>, vector<1x16xf32>,
        %swap3A_328 = vector.shape_cast %swap3A_327 : vector<1x16xf32> to vector<1x16xf32>
        %swap3A_329 = vector.shape_cast %get3A_324 : vector<1x16xf32> to vector<1x16xf32>
        tpu.vector_store %arg9[%swap3A_325, %swap3A_326], %swap3A_329 {strides = array<i32>} : memref<320x32xf32, #tpu.memory_space<vmem>>, vector<1x16xf32>,
        %add3A_330 = arith.constant 12 : i32
        %add3A_331 = arith.addi %add3A_67, %add3A_330 : i32
        %get3A_332 = arith.index_cast %add3A_331 : i32 to index
        %get3A_333 = arith.constant 0 : index
        %get3A_334 = tpu.vector_load %arg8[%get3A_332, %get3A_333] {strides = array<i32>} : memref<320x128xf32, #tpu.memory_space<vmem>>, vector<1x16xf32>,
        %get3A_335 = vector.shape_cast %get3A_334 : vector<1x16xf32> to vector<1x16xf32>
        %swap3A_336 = arith.index_cast %add3A_331 : i32 to index
        %swap3A_337 = arith.constant 0 : index
        %swap3A_338 = tpu.vector_load %arg9[%swap3A_336, %swap3A_337] {strides = array<i32>} : memref<320x32xf32, #tpu.memory_space<vmem>>, vector<1x16xf32>,
        %swap3A_339 = vector.shape_cast %swap3A_338 : vector<1x16xf32> to vector<1x16xf32>
        %swap3A_340 = vector.shape_cast %get3A_335 : vector<1x16xf32> to vector<1x16xf32>
        tpu.vector_store %arg9[%swap3A_336, %swap3A_337], %swap3A_340 {strides = array<i32>} : memref<320x32xf32, #tpu.memory_space<vmem>>, vector<1x16xf32>,
        %add3A_341 = arith.constant 12 : i32
        %add3A_342 = arith.addi %add3A_67, %add3A_341 : i32
        %get3A_343 = arith.index_cast %add3A_342 : i32 to index
        %get3A_344 = arith.constant 16 : index
        %get3A_345 = tpu.vector_load %arg8[%get3A_343, %get3A_344] {strides = array<i32>} : memref<320x128xf32, #tpu.memory_space<vmem>>, vector<1x16xf32>,
        %get3A_346 = vector.shape_cast %get3A_345 : vector<1x16xf32> to vector<1x16xf32>
        %swap3A_347 = arith.index_cast %add3A_342 : i32 to index
        %swap3A_348 = arith.constant 16 : index
        %swap3A_349 = tpu.vector_load %arg9[%swap3A_347, %swap3A_348] {strides = array<i32>} : memref<320x32xf32, #tpu.memory_space<vmem>>, vector<1x16xf32>,
        %swap3A_350 = vector.shape_cast %swap3A_349 : vector<1x16xf32> to vector<1x16xf32>
        %swap3A_351 = vector.shape_cast %get3A_346 : vector<1x16xf32> to vector<1x16xf32>
        tpu.vector_store %arg9[%swap3A_347, %swap3A_348], %swap3A_351 {strides = array<i32>} : memref<320x32xf32, #tpu.memory_space<vmem>>, vector<1x16xf32>,
        %add3A_352 = arith.constant 13 : i32
        %add3A_353 = arith.addi %add3A_67, %add3A_352 : i32
        %get3A_354 = arith.index_cast %add3A_353 : i32 to index
        %get3A_355 = arith.constant 0 : index
        %get3A_356 = tpu.vector_load %arg8[%get3A_354, %get3A_355] {strides = array<i32>} : memref<320x128xf32, #tpu.memory_space<vmem>>, vector<1x16xf32>,
        %get3A_357 = vector.shape_cast %get3A_356 : vector<1x16xf32> to vector<1x16xf32>
        %swap3A_358 = arith.index_cast %add3A_353 : i32 to index
        %swap3A_359 = arith.constant 0 : index
        %swap3A_360 = tpu.vector_load %arg9[%swap3A_358, %swap3A_359] {strides = array<i32>} : memref<320x32xf32, #tpu.memory_space<vmem>>, vector<1x16xf32>,
        %swap3A_361 = vector.shape_cast %swap3A_360 : vector<1x16xf32> to vector<1x16xf32>
        %swap3A_362 = vector.shape_cast %get3A_357 : vector<1x16xf32> to vector<1x16xf32>
        tpu.vector_store %arg9[%swap3A_358, %swap3A_359], %swap3A_362 {strides = array<i32>} : memref<320x32xf32, #tpu.memory_space<vmem>>, vector<1x16xf32>,
        %add3A_363 = arith.constant 13 : i32
        %add3A_364 = arith.addi %add3A_67, %add3A_363 : i32
        %get3A_365 = arith.index_cast %add3A_364 : i32 to index
        %get3A_366 = arith.constant 16 : index
        %get3A_367 = tpu.vector_load %arg8[%get3A_365, %get3A_366] {strides = array<i32>} : memref<320x128xf32, #tpu.memory_space<vmem>>, vector<1x16xf32>,
        %get3A_368 = vector.shape_cast %get3A_367 : vector<1x16xf32> to vector<1x16xf32>
        %swap3A_369 = arith.index_cast %add3A_364 : i32 to index
        %swap3A_370 = arith.constant 16 : index
        %swap3A_371 = tpu.vector_load %arg9[%swap3A_369, %swap3A_370] {strides = array<i32>} : memref<320x32xf32, #tpu.memory_space<vmem>>, vector<1x16xf32>,
        %swap3A_372 = vector.shape_cast %swap3A_371 : vector<1x16xf32> to vector<1x16xf32>
        %swap3A_373 = vector.shape_cast %get3A_368 : vector<1x16xf32> to vector<1x16xf32>
        tpu.vector_store %arg9[%swap3A_369, %swap3A_370], %swap3A_373 {strides = array<i32>} : memref<320x32xf32, #tpu.memory_space<vmem>>, vector<1x16xf32>,
        %add3A_374 = arith.constant 14 : i32
        %add3A_375 = arith.addi %add3A_67, %add3A_374 : i32
        %get3A_376 = arith.index_cast %add3A_375 : i32 to index
        %get3A_377 = arith.constant 0 : index
        %get3A_378 = tpu.vector_load %arg8[%get3A_376, %get3A_377] {strides = array<i32>} : memref<320x128xf32, #tpu.memory_space<vmem>>, vector<1x16xf32>,
        %get3A_379 = vector.shape_cast %get3A_378 : vector<1x16xf32> to vector<1x16xf32>
        %swap3A_380 = arith.index_cast %add3A_375 : i32 to index
        %swap3A_381 = arith.constant 0 : index
        %swap3A_382 = tpu.vector_load %arg9[%swap3A_380, %swap3A_381] {strides = array<i32>} : memref<320x32xf32, #tpu.memory_space<vmem>>, vector<1x16xf32>,
        %swap3A_383 = vector.shape_cast %swap3A_382 : vector<1x16xf32> to vector<1x16xf32>
        %swap3A_384 = vector.shape_cast %get3A_379 : vector<1x16xf32> to vector<1x16xf32>
        tpu.vector_store %arg9[%swap3A_380, %swap3A_381], %swap3A_384 {strides = array<i32>} : memref<320x32xf32, #tpu.memory_space<vmem>>, vector<1x16xf32>,
        %add3A_385 = arith.constant 14 : i32
        %add3A_386 = arith.addi %add3A_67, %add3A_385 : i32
        %get3A_387 = arith.index_cast %add3A_386 : i32 to index
        %get3A_388 = arith.constant 16 : index
        %get3A_389 = tpu.vector_load %arg8[%get3A_387, %get3A_388] {strides = array<i32>} : memref<320x128xf32, #tpu.memory_space<vmem>>, vector<1x16xf32>,
        %get3A_390 = vector.shape_cast %get3A_389 : vector<1x16xf32> to vector<1x16xf32>
        %swap3A_391 = arith.index_cast %add3A_386 : i32 to index
        %swap3A_392 = arith.constant 16 : index
        %swap3A_393 = tpu.vector_load %arg9[%swap3A_391, %swap3A_392] {strides = array<i32>} : memref<320x32xf32, #tpu.memory_space<vmem>>, vector<1x16xf32>,
        %swap3A_394 = vector.shape_cast %swap3A_393 : vector<1x16xf32> to vector<1x16xf32>
        %swap3A_395 = vector.shape_cast %get3A_390 : vector<1x16xf32> to vector<1x16xf32>
        tpu.vector_store %arg9[%swap3A_391, %swap3A_392], %swap3A_395 {strides = array<i32>} : memref<320x32xf32, #tpu.memory_space<vmem>>, vector<1x16xf32>,
        %add3A_396 = arith.constant 15 : i32
        %add3A_397 = arith.addi %add3A_67, %add3A_396 : i32
        %get3A_398 = arith.index_cast %add3A_397 : i32 to index
        %get3A_399 = arith.constant 0 : index
        %get3A_400 = tpu.vector_load %arg8[%get3A_398, %get3A_399] {strides = array<i32>} : memref<320x128xf32, #tpu.memory_space<vmem>>, vector<1x16xf32>,
        %get3A_401 = vector.shape_cast %get3A_400 : vector<1x16xf32> to vector<1x16xf32>
        %swap3A_402 = arith.index_cast %add3A_397 : i32 to index
        %swap3A_403 = arith.constant 0 : index
        %swap3A_404 = tpu.vector_load %arg9[%swap3A_402, %swap3A_403] {strides = array<i32>} : memref<320x32xf32, #tpu.memory_space<vmem>>, vector<1x16xf32>,
        %swap3A_405 = vector.shape_cast %swap3A_404 : vector<1x16xf32> to vector<1x16xf32>
        %swap3A_406 = vector.shape_cast %get3A_401 : vector<1x16xf32> to vector<1x16xf32>
        tpu.vector_store %arg9[%swap3A_402, %swap3A_403], %swap3A_406 {strides = array<i32>} : memref<320x32xf32, #tpu.memory_space<vmem>>, vector<1x16xf32>,
        %add3A_407 = arith.constant 15 : i32
        %add3A_408 = arith.addi %add3A_67, %add3A_407 : i32
        %get3A_409 = arith.index_cast %add3A_408 : i32 to index
        %get3A_410 = arith.constant 16 : index
        %get3A_411 = tpu.vector_load %arg8[%get3A_409, %get3A_410] {strides = array<i32>} : memref<320x128xf32, #tpu.memory_space<vmem>>, vector<1x16xf32>,
        %get3A_412 = vector.shape_cast %get3A_411 : vector<1x16xf32> to vector<1x16xf32>
        %swap3A_413 = arith.index_cast %add3A_408 : i32 to index
        %swap3A_414 = arith.constant 16 : index
        %swap3A_415 = tpu.vector_load %arg9[%swap3A_413, %swap3A_414] {strides = array<i32>} : memref<320x32xf32, #tpu.memory_space<vmem>>, vector<1x16xf32>,
        %swap3A_416 = vector.shape_cast %swap3A_415 : vector<1x16xf32> to vector<1x16xf32>
        %swap3A_417 = vector.shape_cast %get3A_412 : vector<1x16xf32> to vector<1x16xf32>
        tpu.vector_store %arg9[%swap3A_413, %swap3A_414], %swap3A_417 {strides = array<i32>} : memref<320x32xf32, #tpu.memory_space<vmem>>, vector<1x16xf32>,
      }
      %scan3A_59 = arith.constant 20 : i32
      %mul3A_60 = arith.constant 320 : i32
      %mul3A_61 = arith.muli %add3A_51, %mul3A_60 : i32
      %add3A_62 = arith.addi %mul3A_2, %mul3A_61 : i32
      "tpu.region"() ({
        %run_scoped3A = tpu.sem_alloc : memref<!tpu.dma_semaphore, #tpu.memory_space<semaphore_mem>>
        %dma_start3A_63 = arith.constant 0 : i32
        %dma_start3A_64 = tpu.memref_slice %arg4[%add3A_62, %dma_start3A_63] : memref<819200x32xf32, #tpu.memory_space<hbm>> -> memref<320x32xf32, #tpu.memory_space<hbm>>
        %dma_start3A_65 = arith.constant 0 : i32
        %dma_start3A_66 = tpu.memref_slice %arg4[%add3A_62, %dma_start3A_65] : memref<819200x32xf32, #tpu.memory_space<hbm>> -> memref<320x32xf32, #tpu.memory_space<hbm>>
        tpu.enqueue_dma source(%arg9 : memref<320x32xf32, #tpu.memory_space<vmem>>) target(%dma_start3A_66 : memref<320x32xf32, #tpu.memory_space<hbm>>) target_semaphore(%run_scoped3A : memref<!tpu.dma_semaphore, #tpu.memory_space<semaphore_mem>>)
        %dma_wait3A_67 = arith.constant 0 : i32
        %dma_wait3A_68 = tpu.memref_slice %arg4[%add3A_62, %dma_wait3A_67] : memref<819200x32xf32, #tpu.memory_space<hbm>> -> memref<320x32xf32, #tpu.memory_space<hbm>>
        %dma_wait3A_69 = arith.constant 0 : i32
        %dma_wait3A_70 = tpu.memref_slice %arg4[%add3A_62, %dma_wait3A_69] : memref<819200x32xf32, #tpu.memory_space<hbm>> -> memref<320x32xf32, #tpu.memory_space<hbm>>
        tpu.wait_dma2 semaphore(%run_scoped3A : memref<!tpu.dma_semaphore, #tpu.memory_space<semaphore_mem>>) src(%arg9 : memref<320x32xf32, #tpu.memory_space<vmem>>) dst(%dma_wait3A_70 : memref<320x32xf32, #tpu.memory_space<hbm>>)
        tpu.yield
      }) : () -> ()
    }
    %scan3A_15 = arith.constant 40 : i32
    return
  }
}

</mosaic_0001>

<sc_bundles>
// kernel: kernel.3.cloned.1.call-start
scs
__scs_entry_jumppad:
0x0: {  	(pc) =	sbr.rel $0x88, $3  }
0x1: {  	(tag) =	ssettag $0x0;
	lr =	simm.s32 $0x1  }
0x2: {  	[smem:$0x3F9F] =	sst lr;
	_ =	strace $0xD0000000  }
0x3: {  	_ = 	snop  }
0x4: {  	_ = 	snop  }
0x5: {  	_ = 	snop  }
0x6: {  	_ = 	snop  }
0x7: {  	_ = 	snop  }
__scs_overlays_trampoline_lowered:
0x8: {  	[smem:$0x3FAE] =	sst s0  }
0x9: {  	[smem:$0x3FAF] =	sst s1  }
0xa: {  	[smem:$0x3FB0] =	sst s2  }
0xb: {  	[smem:$0x3FB1] =	sst s3  }
0xc: {  	[smem:$0x3FB2] =	sst s4  }
0xd: {  	[smem:$0x3FB3] =	sst s5  }
0xe: {  	[smem:$0x3FB4] =	sst s6  }
0xf: {  	[smem:$0x3FB5] =	sst s7  }
0x10: {  	[smem:$0x3FB6] =	sst s8  }
0x11: {  	[smem:$0x3FB7] =	sst s9;
	s0 =	simm.s32 @!p0 $0x0  }
0x12: {  	s1 =	sld [smem:$0x3F9D];
	s0 =	simm.s32 @p0 $0x1  }
0x13: {  	[smem:$0x3FB8] =	sst s0;
	s0 =	simm.s32 @!p1 $0x0  }
0x14: {  	s2 =	sld [smem:$0x3F9C];
	s0 =	simm.s32 @p1 $0x1  }
0x15: {  	[smem:$0x3FB9] =	sst s0;
	s0 =	simm.s32 @!p2 $0x0  }
0x16: {  	s3 =	sld [smem:$0x3FDB];
	s0 =	simm.s32 @p2 $0x1  }
0x17: {  	s4 =	simm.s32 $0x1BF5;
	[smem:$0x3FBB] =	sst s0  }
0x18: {  	s0 =	sld [smem:$0x3F9E];
	_ =	swait.ge [sflag:s4], $0x0  }
0x19: {  	s7 =	sld [smem:$0x3F9F]  }
0x1a: {  	s8 =	sadd.s32 $0xFFFFE003, lr  }
0x1b: {  	s9 =	sadd.s32 $0xFFFFFEF7, lr;
	s5 =	simm.s32 $0xFFFFFFFF;
	p2 =	slt.u32 s8, $0xFFFFF086  }
0x1c: {  	p1 =	slt.u32 s9, $0xF7A;
	s5 =	simm.s32 @!p2 $0x0  }
0x1d: {  	s5 =	simm.s32 @p1 $0x1;
	p0 =	seq.s32 s7, s2  }
0x1e: {  	s7 =	smul.u32 @!p0 $0xF7A, s2;
	p2 =	seq.s32 @!p0 s5, $0x0  }
0x1f: {  	s9 =	smul.u32 $0xF7A, s1;
	s8 =	simm.s32 @!p0 $0x1BF5;
	p2 =	por !p2, p0  }
0x20: {  	[sflag:s8] =	ssyncset.s32 @!p0 $0xFFFFF086;
	s6 =	sadd.s32 @!p0 s3, s7;
	s7 =	simm.s32 @!p0 $0x108  }
0x21: {  	s3 =	sadd.s32 s3, s9;
	s6 =	sadd.s32 @!p0 $0x88, s6;
	s7 =	simm.s32 @p2 $0x1082  }
0x22: {  	[simem:s7], [sflag:s8] =	dma.local @!p0 [hbm:s6], $0xF7A  }
0x23: {  	s9 =	sor.u32 $0xD0000000, s2;
	s6 =	simm.s32 $0x108;
	_ =	swait.ge @!p0 [sflag:s8], $0x0  }
0x24: {  	s3 =	sadd.s32 $0x88, s3;
	s6 =	simm.s32 @!p1 $0x1082;
	[sflag:s4] =	ssyncset.s32 $0xFFFFF086  }
0x25: {  	[simem:s6], [sflag:s4] =	dma.local [hbm:s3], $0xF7A  }
0x26: {  	[smem:$0x3F9F] =	sst s1;
	(tag) =	ssettag s2;
	_ =	strace s9  }
0x27: {  	s1 =	sld [smem:$0x3FAF]  }
0x28: {  	s2 =	sld [smem:$0x3FB0]  }
0x29: {  	s4 =	sld [smem:$0x3FB2]  }
0x2a: {  	p0 =	seq.s32 s5, $0x0;
	s5 =	sld [smem:$0x3FB3]  }
0x2b: {  	s6 =	sld [smem:$0x3FB4]  }
0x2c: {  	s7 =	sld [smem:$0x3FB5]  }
0x2d: {  	s3 =	simm.s32 $0x108;
	s8 =	sld [smem:$0x3FB6]  }
0x2e: {  	s3 =	simm.s32 @!p0 $0x1082;
	s9 =	sld [smem:$0x3FB7]  }
0x2f: {  	lr =	sadd.s32 s0, s3;
	s0 =	sld [smem:$0x3FAE]  }
0x30: {  	s3 =	sld [smem:$0x3FB1]  }
0x31: {  	[smem:$0x3FBA] =	sst s10  }
0x32: {  	s10 =	sld [smem:$0x3FB8];
	_ =	sdelay $0x3  }
0x33: {  	p0 =	seq.s32 s10, $0x1;
	s10 =	sld [smem:$0x3FBA];
	_ =	sdelay $0x3  }
0x34: {  	[smem:$0x3FBA] =	sst s10  }
0x35: {  	s10 =	sld [smem:$0x3FB9];
	_ =	sdelay $0x3  }
0x36: {  	p1 =	seq.s32 s10, $0x1;
	s10 =	sld [smem:$0x3FBA];
	_ =	sdelay $0x3  }
0x37: {  	[smem:$0x3FBA] =	sst s10  }
0x38: {  	s10 =	sld [smem:$0x3FBB]  }
0x39: {  	_ = 	snop;
	(pc) =	sbr.ind lr, $3  }
0x3a: {  	_ = 	snop  }
0x3b: {  	_ = 	snop  }
0x3c: {  	p2 =	seq.s32 s10, $0x1;
	s10 =	sld [smem:$0x3FBA]  }
0x3d: {  	_ =	shalt  }
0x3e: {  	_ =	shalt  }
0x3f: {  	_ =	shalt  }
0x40: {  	_ =	shalt  }
0x41: {  	_ =	shalt  }
0x42: {  	_ =	shalt  }
0x43: {  	_ =	shalt  }
0x44: {  	_ =	shalt  }
0x45: {  	_ =	shalt  }
0x46: {  	_ =	shalt  }
0x47: {  	_ =	shalt  }
0x48: {  	_ =	shalt  }
0x49: {  	_ =	shalt  }
0x4a: {  	_ =	shalt  }
0x4b: {  	_ =	shalt  }
0x4c: {  	_ =	shalt  }
0x4d: {  	_ =	shalt  }
0x4e: {  	_ =	shalt  }
0x4f: {  	_ =	shalt  }
0x50: {  	_ =	shalt  }
0x51: {  	_ =	shalt  }
0x52: {  	_ =	shalt  }
0x53: {  	_ =	shalt  }
0x54: {  	_ =	shalt  }
0x55: {  	_ =	shalt  }
0x56: {  	_ =	shalt  }
0x57: {  	_ =	shalt  }
0x58: {  	_ =	shalt  }
0x59: {  	_ =	shalt  }
0x5a: {  	_ =	shalt  }
0x5b: {  	_ =	shalt  }
0x5c: {  	_ =	shalt  }
0x5d: {  	_ =	shalt  }
0x5e: {  	_ =	shalt  }
0x5f: {  	_ =	shalt  }
0x60: {  	_ =	shalt  }
0x61: {  	_ =	shalt  }
0x62: {  	_ =	shalt  }
0x63: {  	_ =	shalt  }
0x64: {  	_ =	shalt  }
0x65: {  	_ =	shalt  }
0x66: {  	_ =	shalt  }
0x67: {  	_ =	shalt  }
0x68: {  	_ =	shalt  }
0x69: {  	_ =	shalt  }
0x6a: {  	_ =	shalt  }
0x6b: {  	_ =	shalt  }
0x6c: {  	_ =	shalt  }
0x6d: {  	_ =	shalt  }
0x6e: {  	_ =	shalt  }
0x6f: {  	_ =	shalt  }
0x70: {  	_ =	shalt  }
0x71: {  	_ =	shalt  }
0x72: {  	_ =	shalt  }
0x73: {  	_ =	shalt  }
0x74: {  	_ =	shalt  }
0x75: {  	_ =	shalt  }
0x76: {  	_ =	shalt  }
0x77: {  	_ =	shalt  }
0x78: {  	_ =	shalt  }
0x79: {  	_ =	shalt  }
0x7a: {  	_ =	shalt  }
0x7b: {  	_ =	shalt  }
0x7c: {  	_ =	shalt  }
0x7d: {  	_ =	shalt  }
0x7e: {  	_ =	shalt  }
0x7f: {  	_ =	shalt  }
0x80: {  	_ =	shalt  }
0x81: {  	_ =	shalt  }
0x82: {  	_ =	shalt  }
0x83: {  	_ =	shalt  }
0x84: {  	_ =	shalt  }
0x85: {  	_ =	shalt  }
0x86: {  	_ =	shalt  }
0x87: {  	_ =	shalt  }
.Lfunc_end0:
.L_simem_size_0:
called_computation.1_lowered:
.L_overlay_start_0:
0x88: {  	s2 =	sld [smem:$0x3FD9]  }
0x89: {  	s3 =	sld [smem:$0x3FFE];
	_ =	sdelay $0x1  }
0x8a: {  	s1 =	srdreg.scid  }
0x8b: {  	s0 =	sand.u32 $0x1, s1  }
0x8c: {  	s17 =	sshll.u32 s0, $0xA;
	s2 =	sadd.s32 s3, s2  }
0x8d: {  	s2 =	sadd.s32 s2, s17  }
0x8e: {  	[smem:$0x3FC6] =	sst s2  }
0x8f: {  	_ = 	snop  }
0x90: {  	s2 =	sld [smem:$0x3FD0];
	(tm) =	ssettm $0x1  }
0x91: {  	s18 =	sld [smem:$0x3FFB];
	_ =	sdelay $0x3  }
0x92: {  	_ =	strace s18  }
0x93: {  	s3 =	sld [smem:$0x3FFC];
	_ =	sdelay $0x3  }
0x94: {  	_ =	strace s3  }
0x95: {  	s3 =	sld [smem:$0x3FFD];
	_ =	sdelay $0x3  }
0x96: {  	_ =	strace s3  }
0x97: {  	_ =	strace $0x8FFFFFFF  }
0x98: {  	s19 =	sld [smem:$0x3FDB];
	_ =	sdelay $0x1  }
0x99: {  	s4 =	simm.s32 $_scs_section_size  }
0x9a: {  	s5 =	simm.s32 $_size__tile_overlayer_lowered;
	s6 =	simm.s32 $_tile_overlayer_lowered  }
0x9b: {  	s22 =	simm.s32 $0x1BFF;
	s21 =	sshll.u32 s6, $0x1;
	s3 =	sadd.s32 s4, s19  }
0x9c: {  	s7 =	simm.s32 $0x0;
	s20 =	sshll.u32 s5, $0x1;
	s5 =	sadd.s32 s21, s3  }
0x9d: {  	[timem:s7], [sflag:s22] =	dma.local [hbm:s5], s20  }
0x9e: {  	_ =	swait.ge [sflag:s22], s20  }
0x9f: {  	s4 =	ssub.s32 $0x0, s20;
	[sflag:s22] =	ssyncset.done $0x0  }
0xa0: {  	[sflag:s22] =	ssyncadd.s32 s4;
	_ =	sdelay $0x1  }
0xa1: {  	s23 =	simm.s32 $0x1B8B  }
0xa2: {  	_ =	swait.ge [sflag:s23], $0x1  }
0xa3: {  	[sflag:s23] =	ssyncset.done $0x0  }
0xa4: {  	s25 =	simm.s32 $0x1B8E;
	s24 =	sld [smem:$0x3FFE];
	[sflag:s23] =	ssyncadd.s32 $0xFFFFFFFF  }
0xa5: {  	s26 =	simm.s32 $execute0_lowered;
	[smem:$0x3FD2] =	sst s25  }
0xa6: {  	s5 =	sshll.u32 s26, $0x1;
	_ =	strace $0x80000046;
	[dreg:$0x1] =	wrdreg $0xFFFFFFFF  }
0xa7: {  	s28 =	simm.s32 $_size_execute0_lowered;
	s3 =	sadd.s32 s3, s5;
	[dreg:$0x0] =	wrdreg $0x0  }
0xa8: {  	s5 =	sshll.u32 s28, $0x1;
	[dreg:$0x2] =	wrdreg s3  }
0xa9: {  	[dreg:$0x3] =	wrdreg s5  }
0xaa: {  	[dreg:$0x4] =	wrdreg $0xC0  }
0xab: {  	_ =	task [dreg:s7], $0x5FFFF  }
0xac: {  	[dreg:$0x1] =	wrdreg $0xFFFFFFFF  }
0xad: {  	[dreg:$0x0] =	wrdreg $0x60  }
0xae: {  	[dreg:$0x2] =	wrdreg s24  }
0xaf: {  	[dreg:$0x3] =	wrdreg s2  }
0xb0: {  	[dreg:$0x4] =	wrdreg $0x9  }
0xb1: {  	_ =	task.clear_ibuf [dreg:s7], $0x5FFFF;
	_ =	strace $0x90000046  }
0xb2: {  	s29 =	simm.s32 $0x9;
	_ =	strace $0x80000048  }
0xb3: {  	_ =	swait.ge [sflag:s29], $0x1  }
0xb4: {  	[sflag:s29] =	ssyncadd.s32 $0xFFFFFFFF  }
0xb5: {  	_ =	strace $0x90000048  }
0xb6: {  	_ =	sfence  }
0xb7: {  	s30 =	sld [smem:$0x0];
	_ =	sdelay $0x2  }
0xb8: {  	s31 =	sshll.u32 s1, $0xD;
	s1 =	sshrl.u32 s1, $0x2  }
0xb9: {  	s3 =	sand.u32 $0x4000, s31;
	s1 =	sadd.s32 s1, s30  }
0xba: {  	s0 =	sor.u32 s3, s0;
	s1 =	sshll.u32 s1, $0x11  }
0xbb: {  	s0 =	sor.u32 s1, s0  }
0xbc: {  	s0 =	sadd.s32 $0x8F2B, s0  }
0xbd: {  	[sflag:s0] =	ssyncadd.remote.s32 $0x1  }
0xbe: {  	_ =	sfence.sel $0xFFFF  }
0xbf: {  	[dreg:$0x0] =	wrdreg $0xFFFFFFFF;
	(pc) =	sbr.abs _section_cstart, $3  }
0xc0: {  	[dreg:$0x1] =	wrdreg $0xFFFFFFFF  }
0xc1: {  	_ =	task.clear_ibuf [dreg:s7], $0x2FFFF;
	_ =	strace $0x9FFFFFFF  }
0xc2: {  	(tm) =	ssettm $0x7FFFFFFF  }
0xc3: {  	_ =	shalt  }
tec
execute0_lowered:
.L_overlay_start_1:
0x0: {  	(tag) =	ssettag $0x1  }
0x1: {  	s6 =	rddreg [dreg:$0x0];
	s1 =	srdreg.scid  }
0x2: {  	s0 =	stileid.u32;
	s2 =	rddreg [dreg:$0x1]  }
0x3: {  	s3 =	simm.s32 $0x0;
	s11 =	simm.s32 $0x3;
	s12 =	simm.s32 $0x140  }
0x4: {  	s13 =	simm.s32 $0x300;
	s14 =	simm.s32 $0x180;
	s15 =	simm.s32 $0xA300  }
0x5: {  	s16 =	simm.s32 $0x1;
	s17 =	simm.s32 $0x14300;
	s18 =	simm.s32 $0x2  }
0x6: {  	s5 =	sand.u32 $0x1, s1;
	s4 =	sshll.u32 s0, $0x1;
	s1 =	rddreg [dreg:$0x2]  }
0x7: {  	s19 =	simm.s32 $0x0;
	[smem:$0x7FF] =	sst s3;
	s4 =	sor.u32 s5, s4  }
0x8: {  	_ =	strace $0x80000047;
	s7 =	ssub.s32 $0x2, s5;
	s4 =	smul.u32 $0x6400, s4  }
0x9: {  	s5 =	sadd.s32 $0xF42E00, s6;
	s6 =	sadd.s32 $0xA00, s6;
	s8 =	sshrl.u32 s7, $0x1  }
0xa: {  	s10 =	ssub.s32 s7, s8;
	s9 =	sshrl.u32 s4, $0x3;
	s8 =	sor.u32 $0x140, s4  }
0xb: {  	s10 =	smax.u32 s10, $0x1;
	s7 =	sadd.s32 s2, s9;
	s9 =	sor.u32 $0x280, s4  }
.LBB2_1:
0xc: {  	[tilespmem:s3], [sflag:$0x3] =	stream.linear.gather [hbm4b:s7+s3], $0x140, $0x38;
	[tilespmem:$0x1E300] =	vst v63  }
0xd: {  	_ =	swait.ge [sflag:s11], $0x140  }
0xe: {  	[sflag:s11] =	ssyncset.done $0x0  }
0xf: {  	[sflag:s11] =	ssyncadd.s32 $0xFFFFFEC0  }
0x10: {  	v0 =	vld [tilespmem:$0x0]  }
0x11: {  	v1 =	vld [tilespmem:$0x10]  }
0x12: {  	v2 =	vld [tilespmem:$0x20]  }
0x13: {  	v3 =	vld [tilespmem:$0x30]  }
0x14: {  	v4 =	vld [tilespmem:$0x40]  }
0x15: {  	v5 =	vld [tilespmem:$0x50];
	vm0 =	vgt.s32 v0, $0x0  }
0x16: {  	v6 =	vld [tilespmem:$0x60];
	vm9 =	vgt.s32 v1, $0x0;
	v0 =	vnsel vm0, $0x0, v0  }
0x17: {  	v33 =	vld [tilespmem:$0x70];
	vm10 =	vgt.s32 v2, $0x0;
	v32 =	vnsel vm9, $0x0, v1;
	[tilespmem:$0x0] =	vst v0  }
0x18: {  	v35 =	vld [tilespmem:$0x80];
	vm11 =	vgt.s32 v3, $0x0;
	v34 =	vnsel vm10, $0x0, v2;
	[tilespmem:$0x10] =	vst v32  }
0x19: {  	v37 =	vld [tilespmem:$0x90];
	vm12 =	vgt.s32 v4, $0x0;
	v36 =	vnsel vm11, $0x0, v3;
	[tilespmem:$0x20] =	vst v34  }
0x1a: {  	v39 =	vld [tilespmem:$0xA0];
	vm13 =	vgt.s32 v5, $0x0;
	v38 =	vnsel vm12, $0x0, v4;
	[tilespmem:$0x30] =	vst v36  }
0x1b: {  	v41 =	vld [tilespmem:$0xB0];
	vm14 =	vgt.s32 v6, $0x0;
	v40 =	vnsel vm13, $0x0, v5;
	[tilespmem:$0x40] =	vst v38  }
0x1c: {  	v43 =	vld [tilespmem:$0xC0];
	vm15 =	vgt.s32 v33, $0x0;
	v42 =	vnsel vm14, $0x0, v6;
	[tilespmem:$0x50] =	vst v40  }
0x1d: {  	v45 =	vld [tilespmem:$0xD0];
	vm4 =	vgt.s32 v35, $0x0;
	v44 =	vnsel vm15, $0x0, v33;
	[tilespmem:$0x60] =	vst v42  }
0x1e: {  	v47 =	vld [tilespmem:$0xE0];
	vm5 =	vgt.s32 v37, $0x0;
	v46 =	vnsel vm4, $0x0, v35;
	[tilespmem:$0x70] =	vst v44  }
0x1f: {  	v49 =	vld [tilespmem:$0xF0];
	vm6 =	vgt.s32 v39, $0x0;
	v48 =	vnsel vm5, $0x0, v37;
	[tilespmem:$0x80] =	vst v46  }
0x20: {  	v51 =	vld [tilespmem:$0x100];
	vm7 =	vgt.s32 v41, $0x0;
	v50 =	vnsel vm6, $0x0, v39;
	[tilespmem:$0x90] =	vst v48  }
0x21: {  	v53 =	vld [tilespmem:$0x110];
	vm8 =	vgt.s32 v43, $0x0;
	v52 =	vnsel vm7, $0x0, v41;
	[tilespmem:$0xA0] =	vst v50  }
0x22: {  	v55 =	vld [tilespmem:$0x120];
	v54 =	vnsel vm8, $0x0, v43;
	vm9 =	vgt.s32 v45, $0x0;
	[tilespmem:$0xB0] =	vst v52  }
0x23: {  	v57 =	vld [tilespmem:$0x130];
	vm10 =	vgt.s32 v47, $0x0;
	[tilespmem:$0xC0] =	vst v54;
	v56 =	vnsel vm9, $0x0, v45  }
0x24: {  	vm11 =	vgt.s32 v49, $0x0;
	v58 =	vnsel vm10, $0x0, v47;
	[tilespmem:$0xD0] =	vst v56  }
0x25: {  	vm12 =	vgt.s32 v51, $0x0;
	v59 =	vnsel vm11, $0x0, v49;
	[tilespmem:$0xE0] =	vst v58  }
0x26: {  	vm13 =	vgt.s32 v53, $0x0;
	v60 =	vnsel vm12, $0x0, v51;
	[tilespmem:$0xF0] =	vst v59  }
0x27: {  	vm14 =	vgt.s32 v55, $0x0;
	v61 =	vnsel vm13, $0x0, v53;
	[tilespmem:$0x100] =	vst v60  }
0x28: {  	vm15 =	vgt.s32 v57, $0x0;
	v62 =	vnsel vm14, $0x0, v55;
	[tilespmem:$0x110] =	vst v61  }
0x29: {  	v63 =	vnsel vm15, $0x0, v57;
	[tilespmem:$0x120] =	vst v62  }
0x2a: {  	s20 =	simm.s32 $0x0;
	[tilespmem:$0x130] =	vst v63  }
0x2b: {  	[tilespmem:s13], [sflag:$0x1] =	stream.indirect.gather [hbm4b:s5+s12], $0x80, s3, s12, $0xb8;
	[tilespmem:$0x1E300] =	vst v63  }
.LBB2_2:
0x2c: {  	s22 =	smul.u32 $0x280, s20;
	_ =	sdelay $0x1  }
0x2d: {  	s21 =	sadd.s32 s22, s8  }
0x2e: {  	s23 =	sshrl.u32 s21, $0x3  }
0x2f: {  	s24 =	simm.s32 $0x0;
	s23 =	sadd.s32 s2, s23  }
0x30: {  	[tilespmem:s14], [sflag:$0x3] =	stream.linear.gather [hbm4b:s23+s24], $0x140, $0x38;
	[tilespmem:$0x1E300] =	vst v63  }
0x31: {  	_ =	swait.ge [sflag:s11], $0x140  }
0x32: {  	[sflag:s11] =	ssyncset.done $0x0  }
0x33: {  	[sflag:s11] =	ssyncadd.s32 $0xFFFFFEC0  }
0x34: {  	v0 =	vld [tilespmem:$0x180]  }
0x35: {  	v1 =	vld [tilespmem:$0x190]  }
0x36: {  	v2 =	vld [tilespmem:$0x1A0]  }
0x37: {  	v3 =	vld [tilespmem:$0x1B0]  }
0x38: {  	v4 =	vld [tilespmem:$0x1C0]  }
0x39: {  	v5 =	vld [tilespmem:$0x1D0];
	vm0 =	vgt.s32 v0, $0x0  }
0x3a: {  	v6 =	vld [tilespmem:$0x1E0];
	vm9 =	vgt.s32 v1, $0x0;
	v0 =	vnsel vm0, $0x0, v0  }
0x3b: {  	vm10 =	vgt.s32 v2, $0x0;
	[tilespmem:$0x180] =	vst v0;
	v0 =	vnsel vm9, $0x0, v1;
	v1 =	vld [tilespmem:$0x1F0]  }
0x3c: {  	vm11 =	vgt.s32 v3, $0x0;
	[tilespmem:$0x190] =	vst v0;
	v0 =	vnsel vm10, $0x0, v2;
	v2 =	vld [tilespmem:$0x200]  }
0x3d: {  	vm12 =	vgt.s32 v4, $0x0;
	[tilespmem:$0x1A0] =	vst v0;
	v0 =	vnsel vm11, $0x0, v3;
	v3 =	vld [tilespmem:$0x210]  }
0x3e: {  	vm13 =	vgt.s32 v5, $0x0;
	[tilespmem:$0x1B0] =	vst v0;
	v0 =	vnsel vm12, $0x0, v4;
	v4 =	vld [tilespmem:$0x220]  }
0x3f: {  	vm14 =	vgt.s32 v6, $0x0;
	[tilespmem:$0x1C0] =	vst v0;
	v0 =	vnsel vm13, $0x0, v5;
	v5 =	vld [tilespmem:$0x230]  }
0x40: {  	[tilespmem:$0x1D0] =	vst v0;
	v0 =	vnsel vm14, $0x0, v6;
	vm15 =	vgt.s32 v1, $0x0;
	v6 =	vld [tilespmem:$0x240]  }
0x41: {  	[tilespmem:$0x1E0] =	vst v0;
	v0 =	vnsel vm15, $0x0, v1;
	vm4 =	vgt.s32 v2, $0x0;
	v1 =	vld [tilespmem:$0x250]  }
0x42: {  	[tilespmem:$0x1F0] =	vst v0;
	v0 =	vnsel vm4, $0x0, v2;
	vm5 =	vgt.s32 v3, $0x0;
	v2 =	vld [tilespmem:$0x260]  }
0x43: {  	[tilespmem:$0x200] =	vst v0;
	v0 =	vnsel vm5, $0x0, v3;
	vm6 =	vgt.s32 v4, $0x0;
	v3 =	vld [tilespmem:$0x270]  }
0x44: {  	[tilespmem:$0x210] =	vst v0;
	v0 =	vnsel vm6, $0x0, v4;
	vm7 =	vgt.s32 v5, $0x0;
	v4 =	vld [tilespmem:$0x280]  }
0x45: {  	[tilespmem:$0x220] =	vst v0;
	v0 =	vnsel vm7, $0x0, v5;
	vm8 =	vgt.s32 v6, $0x0;
	v5 =	vld [tilespmem:$0x290]  }
0x46: {  	[tilespmem:$0x230] =	vst v0;
	v0 =	vnsel vm8, $0x0, v6;
	vm9 =	vgt.s32 v1, $0x0;
	v6 =	vld [tilespmem:$0x2A0]  }
0x47: {  	[tilespmem:$0x240] =	vst v0;
	v0 =	vnsel vm9, $0x0, v1;
	vm10 =	vgt.s32 v2, $0x0;
	v1 =	vld [tilespmem:$0x2B0]  }
0x48: {  	[tilespmem:$0x250] =	vst v0;
	v0 =	vnsel vm10, $0x0, v2;
	vm11 =	vgt.s32 v3, $0x0  }
0x49: {  	[tilespmem:$0x260] =	vst v0;
	v0 =	vnsel vm11, $0x0, v3;
	vm12 =	vgt.s32 v4, $0x0  }
0x4a: {  	[tilespmem:$0x270] =	vst v0;
	v0 =	vnsel vm12, $0x0, v4;
	vm13 =	vgt.s32 v5, $0x0  }
0x4b: {  	[tilespmem:$0x280] =	vst v0;
	v0 =	vnsel vm13, $0x0, v5;
	vm14 =	vgt.s32 v6, $0x0  }
0x4c: {  	[tilespmem:$0x290] =	vst v0;
	v0 =	vnsel vm14, $0x0, v6;
	vm15 =	vgt.s32 v1, $0x0  }
0x4d: {  	[tilespmem:$0x2A0] =	vst v0;
	v0 =	vnsel vm15, $0x0, v1  }
0x4e: {  	[tilespmem:$0x2B0] =	vst v0  }
0x4f: {  	[tilespmem:s15], [sflag:$0x2] =	stream.indirect.gather [hbm4b:s5+s12], $0x80, s14, s12, $0xb8;
	[tilespmem:$0x1E300] =	vst v63  }
0x50: {  	_ =	swait.ge [sflag:s16], $0xA000  }
0x51: {  	[sflag:s16] =	ssyncset.done $0x0  }
0x52: {  	s23 =	simm.s32 $0x0;
	[sflag:s16] =	ssyncadd.s32 $0xFFFF6000  }
0x53: {  	v0 =	vld [tilespmem:s23+$0xA90]  }
0x54: {  	v1 =	vld [tilespmem:s23+$0x300]  }
0x55: {  	v2 =	vld [tilespmem:s23+$0x310]  }
0x56: {  	v3 =	vld [tilespmem:s23+$0x380]  }
0x57: {  	v4 =	vld [tilespmem:s23+$0x390]  }
0x58: {  	v5 =	vld [tilespmem:s23+$0x400];
	[tilespmem:s23+$0x14A90] =	vst v0  }
0x59: {  	[tilespmem:s23+$0x14300] =	vst v1;
	v0 =	vld [tilespmem:s23+$0x410]  }
0x5a: {  	[tilespmem:s23+$0x14310] =	vst v2;
	v1 =	vld [tilespmem:s23+$0x480]  }
0x5b: {  	[tilespmem:s23+$0x14380] =	vst v3;
	v2 =	vld [tilespmem:s23+$0x490]  }
0x5c: {  	[tilespmem:s23+$0x14390] =	vst v4;
	v3 =	vld [tilespmem:s23+$0x500]  }
0x5d: {  	[tilespmem:s23+$0x14400] =	vst v5;
	v4 =	vld [tilespmem:s23+$0x510]  }
0x5e: {  	v5 =	vld [tilespmem:s23+$0x910];
	[tilespmem:s23+$0x14410] =	vst v0  }
0x5f: {  	v0 =	vld [tilespmem:s23+$0x580];
	[tilespmem:s23+$0x14480] =	vst v1  }
0x60: {  	v1 =	vld [tilespmem:s23+$0x590];
	[tilespmem:s23+$0x14490] =	vst v2  }
0x61: {  	v2 =	vld [tilespmem:s23+$0x600];
	[tilespmem:s23+$0x14500] =	vst v3  }
0x62: {  	v3 =	vld [tilespmem:s23+$0x610];
	[tilespmem:s23+$0x14510] =	vst v4  }
0x63: {  	v4 =	vld [tilespmem:s23+$0x680];
	[tilespmem:s23+$0x14910] =	vst v5  }
0x64: {  	[tilespmem:s23+$0x14580] =	vst v0;
	v0 =	vld [tilespmem:s23+$0x690]  }
0x65: {  	[tilespmem:s23+$0x14590] =	vst v1;
	v1 =	vld [tilespmem:s23+$0x700]  }
0x66: {  	[tilespmem:s23+$0x14600] =	vst v2;
	v2 =	vld [tilespmem:s23+$0x710]  }
0x67: {  	[tilespmem:s23+$0x14610] =	vst v3;
	v3 =	vld [tilespmem:s23+$0x780]  }
0x68: {  	[tilespmem:s23+$0x14680] =	vst v4;
	v4 =	vld [tilespmem:s23+$0x790]  }
0x69: {  	[tilespmem:s23+$0x14690] =	vst v0;
	v0 =	vld [tilespmem:s23+$0x800]  }
0x6a: {  	[tilespmem:s23+$0x14700] =	vst v1;
	v1 =	vld [tilespmem:s23+$0x810]  }
0x6b: {  	[tilespmem:s23+$0x14710] =	vst v2;
	v2 =	vld [tilespmem:s23+$0x880]  }
0x6c: {  	[tilespmem:s23+$0x14780] =	vst v3;
	v3 =	vld [tilespmem:s23+$0x890]  }
0x6d: {  	[tilespmem:s23+$0x14790] =	vst v4;
	v4 =	vld [tilespmem:s23+$0x900]  }
0x6e: {  	[tilespmem:s23+$0x14800] =	vst v0;
	v0 =	vld [tilespmem:s23+$0x980]  }
0x6f: {  	[tilespmem:s23+$0x14810] =	vst v1;
	v1 =	vld [tilespmem:s23+$0x990]  }
0x70: {  	[tilespmem:s23+$0x14880] =	vst v2;
	v2 =	vld [tilespmem:s23+$0xA00]  }
0x71: {  	[tilespmem:s23+$0x14890] =	vst v3;
	v3 =	vld [tilespmem:s23+$0xA10]  }
0x72: {  	s25 =	simm.s32 $0x800;
	s24 =	simm.s32 $0x4000;
	[tilespmem:s23+$0x14900] =	vst v4;
	v4 =	vld [tilespmem:s23+$0xA80]  }
.LBB2_3:
0x73: {  	p0 =	sne.s32 s24, $0x26000;
	v5 =	vld [tilespmem:s25+$0xA90];
	[tilespmem:s23+$0x14980] =	vst v0  }
0x74: {  	v0 =	vld [tilespmem:s25+$0x300];
	[tilespmem:s23+$0x14990] =	vst v1  }
0x75: {  	v1 =	vld [tilespmem:s25+$0x310];
	[tilespmem:s23+$0x14A00] =	vst v2  }
0x76: {  	v2 =	vld [tilespmem:s25+$0x380];
	[tilespmem:s23+$0x14A10] =	vst v3  }
0x77: {  	v3 =	vld [tilespmem:s25+$0x390];
	[tilespmem:s23+$0x14A80] =	vst v4;
	s23 =	smov.u32 s25  }
0x78: {  	v4 =	vld [tilespmem:s23+$0x400];
	[tilespmem:s23+$0x14A90] =	vst v5  }
0x79: {  	[tilespmem:s23+$0x14300] =	vst v0;
	v0 =	vld [tilespmem:s23+$0x410]  }
0x7a: {  	[tilespmem:s23+$0x14310] =	vst v1;
	v1 =	vld [tilespmem:s23+$0x480]  }
0x7b: {  	[tilespmem:s23+$0x14380] =	vst v2;
	v2 =	vld [tilespmem:s23+$0x490]  }
0x7c: {  	[tilespmem:s23+$0x14390] =	vst v3;
	v3 =	vld [tilespmem:s23+$0x500]  }
0x7d: {  	[tilespmem:s23+$0x14400] =	vst v4;
	v4 =	vld [tilespmem:s23+$0x510]  }
0x7e: {  	[tilespmem:s23+$0x14410] =	vst v0;
	v0 =	vld [tilespmem:s23+$0x580]  }
0x7f: {  	[tilespmem:s23+$0x14480] =	vst v1;
	v1 =	vld [tilespmem:s23+$0x590]  }
0x80: {  	[tilespmem:s23+$0x14490] =	vst v2;
	v2 =	vld [tilespmem:s23+$0x600]  }
0x81: {  	[tilespmem:s23+$0x14500] =	vst v3;
	v3 =	vld [tilespmem:s23+$0x610]  }
0x82: {  	[tilespmem:s23+$0x14510] =	vst v4;
	v4 =	vld [tilespmem:s23+$0x680]  }
0x83: {  	[tilespmem:s23+$0x14580] =	vst v0;
	v0 =	vld [tilespmem:s23+$0x690]  }
0x84: {  	[tilespmem:s23+$0x14590] =	vst v1;
	v1 =	vld [tilespmem:s23+$0x700]  }
0x85: {  	[tilespmem:s23+$0x14600] =	vst v2;
	v2 =	vld [tilespmem:s23+$0x710]  }
0x86: {  	[tilespmem:s23+$0x14610] =	vst v3;
	v3 =	vld [tilespmem:s23+$0x780]  }
0x87: {  	[tilespmem:s23+$0x14680] =	vst v4;
	v4 =	vld [tilespmem:s23+$0x790]  }
0x88: {  	[tilespmem:s23+$0x14690] =	vst v0;
	v0 =	vld [tilespmem:s23+$0x800]  }
0x89: {  	[tilespmem:s23+$0x14700] =	vst v1;
	v1 =	vld [tilespmem:s23+$0x810]  }
0x8a: {  	[tilespmem:s23+$0x14710] =	vst v2;
	v2 =	vld [tilespmem:s23+$0x880]  }
0x8b: {  	[tilespmem:s23+$0x14780] =	vst v3;
	v3 =	vld [tilespmem:s23+$0x890]  }
0x8c: {  	[tilespmem:s23+$0x14790] =	vst v4;
	v4 =	vld [tilespmem:s23+$0x900]  }
0x8d: {  	[tilespmem:s23+$0x14800] =	vst v0;
	v5 =	vld [tilespmem:s23+$0x910]  }
.Ltmp0:
0x8e: {  	[tilespmem:s23+$0x14810] =	vst v1;
	v0 =	vld [tilespmem:s23+$0x980];
	(pc) =	sbr.rel @p0 .LBB2_3-.Ltmp0, $4  }
0x8f: {  	[tilespmem:s23+$0x14880] =	vst v2;
	v1 =	vld [tilespmem:s23+$0x990]  }
0x90: {  	[tilespmem:s23+$0x14890] =	vst v3;
	v2 =	vld [tilespmem:s23+$0xA00]  }
0x91: {  	[tilespmem:s23+$0x14900] =	vst v4;
	v3 =	vld [tilespmem:s23+$0xA10]  }
0x92: {  	s25 =	sshra.s32 s24, $0x2;
	s24 =	sadd.s32 $0x2000, s24;
	[tilespmem:s23+$0x14910] =	vst v5;
	v4 =	vld [tilespmem:s23+$0xA80]  }
0x93: {  	v5 =	vld [tilespmem:s25+$0xA90];
	[tilespmem:s23+$0x14980] =	vst v0  }
0x94: {  	v0 =	vld [tilespmem:s25+$0x300];
	[tilespmem:s23+$0x14990] =	vst v1  }
0x95: {  	v1 =	vld [tilespmem:s25+$0x310];
	[tilespmem:s23+$0x14A00] =	vst v2  }
0x96: {  	v2 =	vld [tilespmem:s25+$0x380];
	[tilespmem:s23+$0x14A10] =	vst v3  }
0x97: {  	v3 =	vld [tilespmem:s25+$0x390];
	[tilespmem:s23+$0x14A80] =	vst v4  }
0x98: {  	v4 =	vld [tilespmem:s25+$0x400];
	[tilespmem:s25+$0x14A90] =	vst v5  }
0x99: {  	v38 =	vld [tilespmem:s25+$0x410];
	[tilespmem:s25+$0x14300] =	vst v0  }
0x9a: {  	v39 =	vld [tilespmem:s25+$0x480];
	[tilespmem:s25+$0x14310] =	vst v1  }
0x9b: {  	v40 =	vld [tilespmem:s25+$0x490];
	[tilespmem:s25+$0x14380] =	vst v2  }
0x9c: {  	v41 =	vld [tilespmem:s25+$0x500];
	[tilespmem:s25+$0x14390] =	vst v3  }
0x9d: {  	v42 =	vld [tilespmem:s25+$0x510];
	[tilespmem:s25+$0x14400] =	vst v4  }
0x9e: {  	v43 =	vld [tilespmem:s25+$0x580];
	[tilespmem:s25+$0x14410] =	vst v38  }
0x9f: {  	v44 =	vld [tilespmem:s25+$0x590];
	[tilespmem:s25+$0x14480] =	vst v39  }
0xa0: {  	v45 =	vld [tilespmem:s25+$0x600];
	[tilespmem:s25+$0x14490] =	vst v40  }
0xa1: {  	v46 =	vld [tilespmem:s25+$0x610];
	[tilespmem:s25+$0x14500] =	vst v41  }
0xa2: {  	v47 =	vld [tilespmem:s25+$0x680];
	[tilespmem:s25+$0x14510] =	vst v42  }
0xa3: {  	v48 =	vld [tilespmem:s25+$0x690];
	[tilespmem:s25+$0x14580] =	vst v43  }
0xa4: {  	v49 =	vld [tilespmem:s25+$0x700];
	[tilespmem:s25+$0x14590] =	vst v44  }
0xa5: {  	v50 =	vld [tilespmem:s25+$0x710];
	[tilespmem:s25+$0x14600] =	vst v45  }
0xa6: {  	v51 =	vld [tilespmem:s25+$0x780];
	[tilespmem:s25+$0x14610] =	vst v46  }
0xa7: {  	v52 =	vld [tilespmem:s25+$0x790];
	[tilespmem:s25+$0x14680] =	vst v47  }
0xa8: {  	v53 =	vld [tilespmem:s25+$0x800];
	[tilespmem:s25+$0x14690] =	vst v48  }
0xa9: {  	v54 =	vld [tilespmem:s25+$0x810];
	[tilespmem:s25+$0x14700] =	vst v49  }
0xaa: {  	v55 =	vld [tilespmem:s25+$0x880];
	[tilespmem:s25+$0x14710] =	vst v50  }
0xab: {  	v56 =	vld [tilespmem:s25+$0x890];
	[tilespmem:s25+$0x14780] =	vst v51  }
0xac: {  	v57 =	vld [tilespmem:s25+$0x900];
	[tilespmem:s25+$0x14790] =	vst v52  }
0xad: {  	v58 =	vld [tilespmem:s25+$0x910];
	[tilespmem:s25+$0x14800] =	vst v53  }
0xae: {  	v59 =	vld [tilespmem:s25+$0x980];
	[tilespmem:s25+$0x14810] =	vst v54  }
0xaf: {  	v60 =	vld [tilespmem:s25+$0x990];
	[tilespmem:s25+$0x14880] =	vst v55  }
0xb0: {  	v61 =	vld [tilespmem:s25+$0xA00];
	[tilespmem:s25+$0x14890] =	vst v56  }
0xb1: {  	v62 =	vld [tilespmem:s25+$0xA10];
	[tilespmem:s25+$0x14900] =	vst v57  }
0xb2: {  	v63 =	vld [tilespmem:s25+$0xA80];
	[tilespmem:s25+$0x14910] =	vst v58  }
0xb3: {  	[tilespmem:s25+$0x14980] =	vst v59  }
0xb4: {  	[tilespmem:s25+$0x14990] =	vst v60  }
0xb5: {  	s31 =	sadd.s32 s4, s22;
	[tilespmem:s25+$0x14A00] =	vst v61  }
0xb6: {  	p0 =	seq.s32 s20, $0x27;
	s23 =	sshll.u32 s31, $0x4;
	[tilespmem:s25+$0x14A10] =	vst v62  }
.Ltmp1:
0xb7: {  	s23 =	sadd.s32 s6, s23;
	[tilespmem:s25+$0x14A80] =	vst v63;
	(pc) =	sbr.rel @p0 .LBB2_6-.Ltmp1, $4  }
0xb8: {  	[hbm4b:s23+s3] =	stream.linear.scatter [tilespmem:s17], [sflag:$0x3], $0xA000, $0x38;
	[tilespmem:$0x1E300] =	vst v63  }
0xb9: {  	_ =	swait.ge [sflag:s11], $0xA000  }
0xba: {  	[sflag:s11] =	ssyncset.done $0x0  }
0xbb: {  	[sflag:s11] =	ssyncadd.s32 $0xFFFF6000  }
0xbc: {  	s22 =	sadd.s32 s22, s9  }
0xbd: {  	s22 =	sshrl.u32 s22, $0x3  }
0xbe: {  	s22 =	sadd.s32 s2, s22  }
0xbf: {  	[tilespmem:s3], [sflag:$0x3] =	stream.linear.gather [hbm4b:s22+s3], $0x140, $0x38;
	[tilespmem:$0x1E300] =	vst v63  }
0xc0: {  	_ =	swait.ge [sflag:s11], $0x140  }
0xc1: {  	[sflag:s11] =	ssyncset.done $0x0  }
0xc2: {  	[sflag:s11] =	ssyncadd.s32 $0xFFFFFEC0  }
0xc3: {  	v0 =	vld [tilespmem:$0x0]  }
0xc4: {  	v1 =	vld [tilespmem:$0x10]  }
0xc5: {  	v2 =	vld [tilespmem:$0x20]  }
0xc6: {  	v3 =	vld [tilespmem:$0x30]  }
0xc7: {  	v4 =	vld [tilespmem:$0x40]  }
0xc8: {  	v5 =	vld [tilespmem:$0x50];
	vm0 =	vgt.s32 v0, $0x0  }
0xc9: {  	v6 =	vld [tilespmem:$0x60];
	vm9 =	vgt.s32 v1, $0x0;
	v0 =	vnsel vm0, $0x0, v0  }
0xca: {  	v33 =	vld [tilespmem:$0x70];
	vm10 =	vgt.s32 v2, $0x0;
	v32 =	vnsel vm9, $0x0, v1;
	[tilespmem:$0x0] =	vst v0  }
0xcb: {  	v35 =	vld [tilespmem:$0x80];
	vm11 =	vgt.s32 v3, $0x0;
	v34 =	vnsel vm10, $0x0, v2;
	[tilespmem:$0x10] =	vst v32  }
0xcc: {  	v37 =	vld [tilespmem:$0x90];
	vm12 =	vgt.s32 v4, $0x0;
	v36 =	vnsel vm11, $0x0, v3;
	[tilespmem:$0x20] =	vst v34  }
0xcd: {  	v39 =	vld [tilespmem:$0xA0];
	vm13 =	vgt.s32 v5, $0x0;
	v38 =	vnsel vm12, $0x0, v4;
	[tilespmem:$0x30] =	vst v36  }
0xce: {  	v41 =	vld [tilespmem:$0xB0];
	vm14 =	vgt.s32 v6, $0x0;
	v40 =	vnsel vm13, $0x0, v5;
	[tilespmem:$0x40] =	vst v38  }
0xcf: {  	v43 =	vld [tilespmem:$0xC0];
	vm15 =	vgt.s32 v33, $0x0;
	v42 =	vnsel vm14, $0x0, v6;
	[tilespmem:$0x50] =	vst v40  }
0xd0: {  	v45 =	vld [tilespmem:$0xD0];
	vm4 =	vgt.s32 v35, $0x0;
	v44 =	vnsel vm15, $0x0, v33;
	[tilespmem:$0x60] =	vst v42  }
0xd1: {  	v47 =	vld [tilespmem:$0xE0];
	vm5 =	vgt.s32 v37, $0x0;
	v46 =	vnsel vm4, $0x0, v35;
	[tilespmem:$0x70] =	vst v44  }
0xd2: {  	v49 =	vld [tilespmem:$0xF0];
	vm6 =	vgt.s32 v39, $0x0;
	v48 =	vnsel vm5, $0x0, v37;
	[tilespmem:$0x80] =	vst v46  }
0xd3: {  	v51 =	vld [tilespmem:$0x100];
	vm7 =	vgt.s32 v41, $0x0;
	v50 =	vnsel vm6, $0x0, v39;
	[tilespmem:$0x90] =	vst v48  }
0xd4: {  	v53 =	vld [tilespmem:$0x110];
	vm8 =	vgt.s32 v43, $0x0;
	v52 =	vnsel vm7, $0x0, v41;
	[tilespmem:$0xA0] =	vst v50  }
0xd5: {  	v55 =	vld [tilespmem:$0x120];
	v54 =	vnsel vm8, $0x0, v43;
	vm9 =	vgt.s32 v45, $0x0;
	[tilespmem:$0xB0] =	vst v52  }
0xd6: {  	v57 =	vld [tilespmem:$0x130];
	vm10 =	vgt.s32 v47, $0x0;
	[tilespmem:$0xC0] =	vst v54;
	v56 =	vnsel vm9, $0x0, v45  }
0xd7: {  	vm11 =	vgt.s32 v49, $0x0;
	v58 =	vnsel vm10, $0x0, v47;
	[tilespmem:$0xD0] =	vst v56  }
0xd8: {  	vm12 =	vgt.s32 v51, $0x0;
	v59 =	vnsel vm11, $0x0, v49;
	[tilespmem:$0xE0] =	vst v58  }
0xd9: {  	vm13 =	vgt.s32 v53, $0x0;
	v60 =	vnsel vm12, $0x0, v51;
	[tilespmem:$0xF0] =	vst v59  }
0xda: {  	vm14 =	vgt.s32 v55, $0x0;
	v61 =	vnsel vm13, $0x0, v53;
	[tilespmem:$0x100] =	vst v60  }
0xdb: {  	vm15 =	vgt.s32 v57, $0x0;
	v62 =	vnsel vm14, $0x0, v55;
	[tilespmem:$0x110] =	vst v61  }
0xdc: {  	v63 =	vnsel vm15, $0x0, v57;
	[tilespmem:$0x120] =	vst v62  }
0xdd: {  	[tilespmem:$0x130] =	vst v63  }
0xde: {  	[tilespmem:s13], [sflag:$0x1] =	stream.indirect.gather [hbm4b:s5+s12], $0x80, s3, s12, $0xb8;
	[tilespmem:$0x1E300] =	vst v63  }
.LBB2_6:
0xdf: {  	_ =	swait.ge [sflag:s18], $0xA000  }
0xe0: {  	[sflag:s18] =	ssyncset.done $0x0  }
0xe1: {  	s22 =	simm.s32 $0x0;
	[sflag:s18] =	ssyncadd.s32 $0xFFFF6000  }
0xe2: {  	v0 =	vld [tilespmem:s22+$0xAA90]  }
0xe3: {  	v1 =	vld [tilespmem:s22+$0xA300]  }
0xe4: {  	v2 =	vld [tilespmem:s22+$0xA310]  }
0xe5: {  	v3 =	vld [tilespmem:s22+$0xA380]  }
0xe6: {  	v4 =	vld [tilespmem:s22+$0xA390]  }
0xe7: {  	v5 =	vld [tilespmem:s22+$0xA400];
	[tilespmem:s22+$0x14A90] =	vst v0  }
0xe8: {  	[tilespmem:s22+$0x14300] =	vst v1;
	v0 =	vld [tilespmem:s22+$0xA410]  }
0xe9: {  	[tilespmem:s22+$0x14310] =	vst v2;
	v1 =	vld [tilespmem:s22+$0xA480]  }
0xea: {  	[tilespmem:s22+$0x14380] =	vst v3;
	v2 =	vld [tilespmem:s22+$0xA490]  }
0xeb: {  	[tilespmem:s22+$0x14390] =	vst v4;
	v3 =	vld [tilespmem:s22+$0xA500]  }
0xec: {  	[tilespmem:s22+$0x14400] =	vst v5;
	v4 =	vld [tilespmem:s22+$0xA510]  }
0xed: {  	v5 =	vld [tilespmem:s22+$0xA910];
	[tilespmem:s22+$0x14410] =	vst v0  }
0xee: {  	v0 =	vld [tilespmem:s22+$0xA580];
	[tilespmem:s22+$0x14480] =	vst v1  }
0xef: {  	v1 =	vld [tilespmem:s22+$0xA590];
	[tilespmem:s22+$0x14490] =	vst v2  }
0xf0: {  	v2 =	vld [tilespmem:s22+$0xA600];
	[tilespmem:s22+$0x14500] =	vst v3  }
0xf1: {  	v3 =	vld [tilespmem:s22+$0xA610];
	[tilespmem:s22+$0x14510] =	vst v4  }
0xf2: {  	v4 =	vld [tilespmem:s22+$0xA680];
	[tilespmem:s22+$0x14910] =	vst v5  }
0xf3: {  	[tilespmem:s22+$0x14580] =	vst v0;
	v0 =	vld [tilespmem:s22+$0xA690]  }
0xf4: {  	[tilespmem:s22+$0x14590] =	vst v1;
	v1 =	vld [tilespmem:s22+$0xA700]  }
0xf5: {  	[tilespmem:s22+$0x14600] =	vst v2;
	v2 =	vld [tilespmem:s22+$0xA710]  }
0xf6: {  	[tilespmem:s22+$0x14610] =	vst v3;
	v3 =	vld [tilespmem:s22+$0xA780]  }
0xf7: {  	[tilespmem:s22+$0x14680] =	vst v4;
	v4 =	vld [tilespmem:s22+$0xA790]  }
0xf8: {  	[tilespmem:s22+$0x14690] =	vst v0;
	v0 =	vld [tilespmem:s22+$0xA800]  }
0xf9: {  	[tilespmem:s22+$0x14700] =	vst v1;
	v1 =	vld [tilespmem:s22+$0xA810]  }
0xfa: {  	[tilespmem:s22+$0x14710] =	vst v2;
	v2 =	vld [tilespmem:s22+$0xA880]  }
0xfb: {  	[tilespmem:s22+$0x14780] =	vst v3;
	v3 =	vld [tilespmem:s22+$0xA890]  }
0xfc: {  	[tilespmem:s22+$0x14790] =	vst v4;
	v4 =	vld [tilespmem:s22+$0xA900]  }
0xfd: {  	[tilespmem:s22+$0x14800] =	vst v0;
	v0 =	vld [tilespmem:s22+$0xA980]  }
0xfe: {  	[tilespmem:s22+$0x14810] =	vst v1;
	v1 =	vld [tilespmem:s22+$0xA990]  }
0xff: {  	[tilespmem:s22+$0x14880] =	vst v2;
	v2 =	vld [tilespmem:s22+$0xAA00]  }
0x100: {  	[tilespmem:s22+$0x14890] =	vst v3;
	v3 =	vld [tilespmem:s22+$0xAA10]  }
0x101: {  	s24 =	simm.s32 $0x800;
	s23 =	simm.s32 $0x4000;
	[tilespmem:s22+$0x14900] =	vst v4;
	v4 =	vld [tilespmem:s22+$0xAA80]  }
.LBB2_7:
0x102: {  	p0 =	sne.s32 s23, $0x26000;
	v5 =	vld [tilespmem:s24+$0xAA90];
	[tilespmem:s22+$0x14980] =	vst v0  }
0x103: {  	v0 =	vld [tilespmem:s24+$0xA300];
	[tilespmem:s22+$0x14990] =	vst v1  }
0x104: {  	v1 =	vld [tilespmem:s24+$0xA310];
	[tilespmem:s22+$0x14A00] =	vst v2  }
0x105: {  	v2 =	vld [tilespmem:s24+$0xA380];
	[tilespmem:s22+$0x14A10] =	vst v3  }
0x106: {  	v3 =	vld [tilespmem:s24+$0xA390];
	[tilespmem:s22+$0x14A80] =	vst v4;
	s22 =	smov.u32 s24  }
0x107: {  	v4 =	vld [tilespmem:s22+$0xA400];
	[tilespmem:s22+$0x14A90] =	vst v5  }
0x108: {  	[tilespmem:s22+$0x14300] =	vst v0;
	v0 =	vld [tilespmem:s22+$0xA410]  }
0x109: {  	[tilespmem:s22+$0x14310] =	vst v1;
	v1 =	vld [tilespmem:s22+$0xA480]  }
0x10a: {  	[tilespmem:s22+$0x14380] =	vst v2;
	v2 =	vld [tilespmem:s22+$0xA490]  }
0x10b: {  	[tilespmem:s22+$0x14390] =	vst v3;
	v3 =	vld [tilespmem:s22+$0xA500]  }
0x10c: {  	[tilespmem:s22+$0x14400] =	vst v4;
	v4 =	vld [tilespmem:s22+$0xA510]  }
0x10d: {  	[tilespmem:s22+$0x14410] =	vst v0;
	v0 =	vld [tilespmem:s22+$0xA580]  }
0x10e: {  	[tilespmem:s22+$0x14480] =	vst v1;
	v1 =	vld [tilespmem:s22+$0xA590]  }
0x10f: {  	[tilespmem:s22+$0x14490] =	vst v2;
	v2 =	vld [tilespmem:s22+$0xA600]  }
0x110: {  	[tilespmem:s22+$0x14500] =	vst v3;
	v3 =	vld [tilespmem:s22+$0xA610]  }
0x111: {  	[tilespmem:s22+$0x14510] =	vst v4;
	v4 =	vld [tilespmem:s22+$0xA680]  }
0x112: {  	[tilespmem:s22+$0x14580] =	vst v0;
	v0 =	vld [tilespmem:s22+$0xA690]  }
0x113: {  	[tilespmem:s22+$0x14590] =	vst v1;
	v1 =	vld [tilespmem:s22+$0xA700]  }
0x114: {  	[tilespmem:s22+$0x14600] =	vst v2;
	v2 =	vld [tilespmem:s22+$0xA710]  }
0x115: {  	[tilespmem:s22+$0x14610] =	vst v3;
	v3 =	vld [tilespmem:s22+$0xA780]  }
0x116: {  	[tilespmem:s22+$0x14680] =	vst v4;
	v4 =	vld [tilespmem:s22+$0xA790]  }
0x117: {  	[tilespmem:s22+$0x14690] =	vst v0;
	v0 =	vld [tilespmem:s22+$0xA800]  }
0x118: {  	[tilespmem:s22+$0x14700] =	vst v1;
	v1 =	vld [tilespmem:s22+$0xA810]  }
0x119: {  	[tilespmem:s22+$0x14710] =	vst v2;
	v2 =	vld [tilespmem:s22+$0xA880]  }
0x11a: {  	[tilespmem:s22+$0x14780] =	vst v3;
	v3 =	vld [tilespmem:s22+$0xA890]  }
0x11b: {  	[tilespmem:s22+$0x14790] =	vst v4;
	v4 =	vld [tilespmem:s22+$0xA900]  }
0x11c: {  	[tilespmem:s22+$0x14800] =	vst v0;
	v5 =	vld [tilespmem:s22+$0xA910]  }
.Ltmp2:
0x11d: {  	[tilespmem:s22+$0x14810] =	vst v1;
	v0 =	vld [tilespmem:s22+$0xA980];
	(pc) =	sbr.rel @p0 .LBB2_7-.Ltmp2, $4  }
0x11e: {  	[tilespmem:s22+$0x14880] =	vst v2;
	v1 =	vld [tilespmem:s22+$0xA990]  }
0x11f: {  	[tilespmem:s22+$0x14890] =	vst v3;
	v2 =	vld [tilespmem:s22+$0xAA00]  }
0x120: {  	[tilespmem:s22+$0x14900] =	vst v4;
	v3 =	vld [tilespmem:s22+$0xAA10]  }
0x121: {  	s24 =	sshra.s32 s23, $0x2;
	s23 =	sadd.s32 $0x2000, s23;
	[tilespmem:s22+$0x14910] =	vst v5;
	v4 =	vld [tilespmem:s22+$0xAA80]  }
0x122: {  	v5 =	vld [tilespmem:s24+$0xAA90];
	[tilespmem:s22+$0x14980] =	vst v0  }
0x123: {  	v0 =	vld [tilespmem:s24+$0xA300];
	[tilespmem:s22+$0x14990] =	vst v1  }
0x124: {  	v1 =	vld [tilespmem:s24+$0xA310];
	[tilespmem:s22+$0x14A00] =	vst v2  }
0x125: {  	v2 =	vld [tilespmem:s24+$0xA380];
	[tilespmem:s22+$0x14A10] =	vst v3  }
0x126: {  	v3 =	vld [tilespmem:s24+$0xA390];
	[tilespmem:s22+$0x14A80] =	vst v4  }
0x127: {  	v4 =	vld [tilespmem:s24+$0xA400];
	[tilespmem:s24+$0x14A90] =	vst v5  }
0x128: {  	v38 =	vld [tilespmem:s24+$0xA410];
	[tilespmem:s24+$0x14300] =	vst v0  }
0x129: {  	v39 =	vld [tilespmem:s24+$0xA480];
	[tilespmem:s24+$0x14310] =	vst v1  }
0x12a: {  	v40 =	vld [tilespmem:s24+$0xA490];
	[tilespmem:s24+$0x14380] =	vst v2  }
0x12b: {  	v41 =	vld [tilespmem:s24+$0xA500];
	[tilespmem:s24+$0x14390] =	vst v3  }
0x12c: {  	v42 =	vld [tilespmem:s24+$0xA510];
	[tilespmem:s24+$0x14400] =	vst v4  }
0x12d: {  	v43 =	vld [tilespmem:s24+$0xA580];
	[tilespmem:s24+$0x14410] =	vst v38  }
0x12e: {  	v44 =	vld [tilespmem:s24+$0xA590];
	[tilespmem:s24+$0x14480] =	vst v39  }
0x12f: {  	v45 =	vld [tilespmem:s24+$0xA600];
	[tilespmem:s24+$0x14490] =	vst v40  }
0x130: {  	v46 =	vld [tilespmem:s24+$0xA610];
	[tilespmem:s24+$0x14500] =	vst v41  }
0x131: {  	v47 =	vld [tilespmem:s24+$0xA680];
	[tilespmem:s24+$0x14510] =	vst v42  }
0x132: {  	v48 =	vld [tilespmem:s24+$0xA690];
	[tilespmem:s24+$0x14580] =	vst v43  }
0x133: {  	v49 =	vld [tilespmem:s24+$0xA700];
	[tilespmem:s24+$0x14590] =	vst v44  }
0x134: {  	v50 =	vld [tilespmem:s24+$0xA710];
	[tilespmem:s24+$0x14600] =	vst v45  }
0x135: {  	v51 =	vld [tilespmem:s24+$0xA780];
	[tilespmem:s24+$0x14610] =	vst v46  }
0x136: {  	v52 =	vld [tilespmem:s24+$0xA790];
	[tilespmem:s24+$0x14680] =	vst v47  }
0x137: {  	v53 =	vld [tilespmem:s24+$0xA800];
	[tilespmem:s24+$0x14690] =	vst v48  }
0x138: {  	v54 =	vld [tilespmem:s24+$0xA810];
	[tilespmem:s24+$0x14700] =	vst v49  }
0x139: {  	v55 =	vld [tilespmem:s24+$0xA880];
	[tilespmem:s24+$0x14710] =	vst v50  }
0x13a: {  	v56 =	vld [tilespmem:s24+$0xA890];
	[tilespmem:s24+$0x14780] =	vst v51  }
0x13b: {  	v57 =	vld [tilespmem:s24+$0xA900];
	[tilespmem:s24+$0x14790] =	vst v52  }
0x13c: {  	v58 =	vld [tilespmem:s24+$0xA910];
	[tilespmem:s24+$0x14800] =	vst v53  }
0x13d: {  	v59 =	vld [tilespmem:s24+$0xA980];
	[tilespmem:s24+$0x14810] =	vst v54  }
0x13e: {  	v60 =	vld [tilespmem:s24+$0xA990];
	[tilespmem:s24+$0x14880] =	vst v55  }
0x13f: {  	v61 =	vld [tilespmem:s24+$0xAA00];
	[tilespmem:s24+$0x14890] =	vst v56  }
0x140: {  	v62 =	vld [tilespmem:s24+$0xAA10];
	[tilespmem:s24+$0x14900] =	vst v57  }
0x141: {  	v63 =	vld [tilespmem:s24+$0xAA80];
	[tilespmem:s24+$0x14910] =	vst v58  }
0x142: {  	[tilespmem:s24+$0x14980] =	vst v59  }
0x143: {  	[tilespmem:s24+$0x14990] =	vst v60  }
0x144: {  	s20 =	sadd.s32 $0x1, s20;
	[tilespmem:s24+$0x14A00] =	vst v61  }
0x145: {  	s21 =	sshll.u32 s21, $0x4;
	p0 =	sne.s32 s20, $0x28;
	[tilespmem:s24+$0x14A10] =	vst v62  }
.Ltmp3:
0x146: {  	s21 =	sadd.s32 s6, s21;
	[tilespmem:s24+$0x14A80] =	vst v63;
	(pc) =	sbr.rel @p0 .LBB2_2-.Ltmp3, $4  }
0x147: {  	[hbm4b:s21+s3] =	stream.linear.scatter [tilespmem:s17], [sflag:$0x3], $0xA000, $0x38;
	[tilespmem:$0x1E300] =	vst v63  }
0x148: {  	_ =	swait.ge [sflag:s11], $0xA000  }
0x149: {  	[sflag:s11] =	ssyncset.done $0x0  }
0x14a: {  	[sflag:s11] =	ssyncadd.s32 $0xFFFF6000  }
0x14b: {  	s19 =	sadd.s32 $0x1, s19  }
0x14c: {  	p0 =	sne.s32 s19, s10  }
.Ltmp4:
0x14d: {  	_ = 	snop;
	(pc) =	sbr.rel @p0 .LBB2_1-.Ltmp4, $1  }
0x14e: {  	_ =	sdelay $0x3  }
0x14f: {  	_ =	sfence.sel $0x180000  }
0x150: {  	[bflag:$0x0] =	sbarrier.arrive $0xFFFF  }
0x151: {  	p0 =	sne.s32 s0, $0x0;
	_ =	strace $0x90000047  }
0x152: {  	s0 =	sadd.s32 @!p0 $0x100000, s1;
	[bflag:$0x2] =	sbarrier.arrive $0xFFFF  }
0x153: {  	[sflag:s0] =	ssyncadd.tile.s32 @!p0 $0x1;
	_ =	shalt  }
.Lfunc_end2:
_tile_overlayer_lowered:
.L_overlay_start_2:
0x154: {  	(tag) =	ssettag $0x2  }
0x155: {  	s0 =	rddreg [dreg:$0x0];
	s2 =	stileid.u32  }
0x156: {  	s1 =	rddreg [dreg:$0x1];
	p0 =	sne.s32 s2, $0x0  }
0x157: {  	s3 =	rddreg [dreg:$0x2];
	[bflag:$0x3] =	sbarrier.arrive $0xFFFF;
	s2 =	simm.s32 @!p0 $0x1C03  }
0x158: {  	[timem:s3], [sflag:s2] =	dma.local @!p0 [hbm:s0], s1  }
0x159: {  	s0 =	simm.s32 @!p0 $0x3  }
0x15a: {  	_ =	swait.ge @!p0 [sflag:s0], s1  }
0x15b: {  	s1 =	ssub.s32 @!p0 $0x0, s1;
	[sflag:s0] =	ssyncset.done @!p0 $0x0  }
0x15c: {  	[sflag:s0] =	ssyncadd.s32 @!p0 s1  }
0x15d: {  	[bflag:$0x3] =	sbarrier.arrive $0xFFFF  }
0x15e: {  	_ =	shalt  }

// kernel: sparse-core-data-format-call.cloned.1.call-start
scs
called_computation_lowered:
.L_overlay_start_0:
0x0: {  	s2 =	sld [smem:$0x3FD9]  }
0x1: {  	s3 =	sld [smem:$0x3FFE];
	_ =	sdelay $0x1  }
0x2: {  	s1 =	srdreg.scid  }
0x3: {  	s0 =	sand.u32 $0x1, s1  }
0x4: {  	s18 =	sshll.u32 s0, $0xA;
	s2 =	sadd.s32 s3, s2  }
0x5: {  	s2 =	sadd.s32 s2, s18  }
0x6: {  	[smem:$0x3FC6] =	sst s2  }
0x7: {  	_ = 	snop  }
0x8: {  	s2 =	sld [smem:$0x3FD0];
	(tm) =	ssettm $0x1  }
0x9: {  	s19 =	sld [smem:$0x3FFB];
	_ =	sdelay $0x3  }
0xa: {  	_ =	strace s19  }
0xb: {  	s3 =	sld [smem:$0x3FFC];
	_ =	sdelay $0x3  }
0xc: {  	_ =	strace s3  }
0xd: {  	s3 =	sld [smem:$0x3FFD];
	_ =	sdelay $0x3  }
0xe: {  	_ =	strace s3  }
0xf: {  	_ =	strace $0x8FFFFFFF  }
0x10: {  	s20 =	sld [smem:$0x3FDB];
	_ =	sdelay $0x1  }
0x11: {  	s4 =	simm.s32 $_scs_section_size  }
0x12: {  	s5 =	simm.s32 $_size__tile_overlayer_lowered;
	s6 =	simm.s32 $_tile_overlayer_lowered  }
0x13: {  	s23 =	simm.s32 $0x1BFF;
	s22 =	sshll.u32 s6, $0x1;
	s3 =	sadd.s32 s4, s20  }
0x14: {  	s7 =	simm.s32 $0x0;
	s21 =	sshll.u32 s5, $0x1;
	s5 =	sadd.s32 s22, s3  }
0x15: {  	[timem:s7], [sflag:s23] =	dma.local [hbm:s5], s21  }
0x16: {  	_ =	swait.ge [sflag:s23], s21  }
0x17: {  	s4 =	ssub.s32 $0x0, s21;
	[sflag:s23] =	ssyncset.done $0x0  }
0x18: {  	[sflag:s23] =	ssyncadd.s32 s4;
	_ =	sdelay $0x1  }
0x19: {  	s24 =	simm.s32 $0x1B8B  }
0x1a: {  	_ =	swait.ge [sflag:s24], $0x1  }
0x1b: {  	[sflag:s24] =	ssyncset.done $0x0  }
0x1c: {  	s26 =	simm.s32 $0x1B8E;
	s25 =	sld [smem:$0x3FFE];
	[sflag:s24] =	ssyncadd.s32 $0xFFFFFFFF  }
0x1d: {  	s27 =	simm.s32 $execute0_lowered;
	[smem:$0x3FD2] =	sst s26  }
0x1e: {  	s5 =	sshll.u32 s27, $0x1;
	_ =	strace $0x80000049;
	[dreg:$0x1] =	wrdreg $0xFFFFFFFF  }
0x1f: {  	s28 =	simm.s32 $_size_execute0_lowered;
	s3 =	sadd.s32 s3, s5;
	[dreg:$0x0] =	wrdreg $0x0  }
0x20: {  	s5 =	sshll.u32 s28, $0x1;
	[dreg:$0x2] =	wrdreg s3  }
0x21: {  	[dreg:$0x3] =	wrdreg s5  }
0x22: {  	[dreg:$0x4] =	wrdreg $0xC0  }
0x23: {  	_ =	task [dreg:s7], $0x5FFFF  }
0x24: {  	[dreg:$0x1] =	wrdreg $0xFFFFFFFF  }
0x25: {  	[dreg:$0x0] =	wrdreg $0x60  }
0x26: {  	[dreg:$0x2] =	wrdreg s25  }
0x27: {  	[dreg:$0x3] =	wrdreg s2  }
0x28: {  	[dreg:$0x4] =	wrdreg $0x9  }
0x29: {  	_ =	task.clear_ibuf [dreg:s7], $0x5FFFF;
	_ =	strace $0x90000049  }
0x2a: {  	s29 =	simm.s32 $0x9;
	_ =	strace $0x8000004B  }
0x2b: {  	_ =	swait.ge [sflag:s29], $0x1  }
0x2c: {  	[sflag:s29] =	ssyncadd.s32 $0xFFFFFFFF  }
0x2d: {  	_ =	strace $0x9000004B  }
0x2e: {  	_ =	sfence  }
0x2f: {  	s30 =	sld [smem:$0x0];
	_ =	sdelay $0x2  }
0x30: {  	s31 =	sshll.u32 s1, $0xD;
	s1 =	sshrl.u32 s1, $0x2  }
0x31: {  	s3 =	sand.u32 $0x4000, s31;
	s1 =	sadd.s32 s1, s30  }
0x32: {  	s0 =	sor.u32 s3, s0;
	s1 =	sshll.u32 s1, $0x11  }
0x33: {  	s0 =	sor.u32 s1, s0  }
0x34: {  	s0 =	sadd.s32 $0x8F2B, s0  }
0x35: {  	[sflag:s0] =	ssyncadd.remote.s32 $0x1  }
0x36: {  	_ =	sfence.sel $0xFFFF  }
0x37: {  	[dreg:$0x0] =	wrdreg $0xFFFFFFFF;
	(pc) =	sbr.abs _section_cstart, $3  }
0x38: {  	[dreg:$0x1] =	wrdreg $0xFFFFFFFF  }
0x39: {  	_ =	task.clear_ibuf [dreg:s7], $0x2FFFF;
	_ =	strace $0x9FFFFFFF  }
0x3a: {  	(tm) =	ssettm $0x7FFFFFFF  }
0x3b: {  	_ =	shalt  }
tec
execute0_lowered:
.L_overlay_start_1:
0x0: {  	(tag) =	ssettag $0x1  }
0x1: {  	s0 =	srdreg.scid  }
0x2: {  	s1 =	sshll.u32 s0, $0x4  }
0x3: {  	s0 =	stileid.u32;
	s1 =	sand.u32 $0x10, s1  }
0x4: {  	s1 =	sor.u32 s0, s1  }
0x5: {  	s6 =	rddreg [dreg:$0x0];
	s4 =	simm.s32 $0x1;
	s2 =	sshll.u32 s1, $0x7  }
0x6: {  	s7 =	simm.s32 $0x2;
	s12 =	simm.s32 $0x0;
	s1 =	ssub.s32 $0x1000, s2  }
0x7: {  	s8 =	simm.s32 $0x8000;
	s13 =	simm.s32 $0x0;
	s3 =	sand.u32 $0xF80, s1  }
0x8: {  	s9 =	simm.s32 $0x0;
	s5 =	sshrl.u32 s1, $0xC;
	p0 =	sne.s32 s3, $0x0  }
.Ltmp0:
0x9: {  	s1 =	rddreg [dreg:$0x2];
	s4 =	simm.s32 @!p0 $0x0;
	(pc) =	sbr.rel .LBB1_1-.Ltmp0, $4  }
0xa: {  	s11 =	simm.s32 $0x0;
	s3 =	rddreg [dreg:$0x1];
	s5 =	sadd.s32 s4, s5  }
0xb: {  	_ =	strace $0x8000004A;
	s4 =	simm.s32 $0x1;
	s5 =	smul.u32 $0xC8, s5  }
0xc: {  	s6 =	sadd.s32 $0xA00, s6;
	s10 =	smov.u32 s2;
	[sflag:s4] =	ssyncpa.u1 $0x0  }
0xd: {  	p0 =	por $0x0, $0x0;
	[sflag:s7] =	ssyncpa.u1 $0x0;
	s7 =	sor.u32 $0x1, s5  }
.LBB1_4:
0xe: {  	s16 =	sshll.u32 s13, $0x3;
	s17 =	sand.u32 $0x78, s13  }
0xf: {  	s30 =	sand.u32 $0x3E00, s13;
	s12 =	sshll.u32 s12, $0xE;
	s16 =	sand.u32 $0xC00, s16  }
0x10: {  	s31 =	sand.u32 $0x7, s13;
	s16 =	sor.u32 s17, s16;
	s17 =	sadd.s32 s3, s30  }
0x11: {  	s13 =	sshll.u32 s31, $0x12;
	s16 =	sshrl.u32 s16, $0x3;
	s12 =	sadd.s32 s12, s17  }
0x12: {  	[tilespmem:s15+$0x0 ss:$0x81] =	vst.msk $0xffff, v0;
	s13 =	sor.u32 $0x400, s13;
	s12 =	sadd.s32 s16, s12  }
0x13: {  	[hbm4b:s12+s13] =	stream.strided.scatter [tilespmem:s14], [sflag:$0x2], $0x1000, s8, s13, $0x20;
	[tilespmem:$0x4040] =	vst v63  }
.LBB1_5:
0x14: {  	s14 =	sadd.s32 $0x1, s9  }
0x15: {  	s12 =	sadd.s32 $0x1000, s10;
	s16 =	smov.u32 s10;
	p2 =	sgt.s32 s14, $0xC7  }
0x16: {  	s16 =	smov.u32 @p2 s12  }
0x17: {  	s14 =	simm.s32 @p2 $0x0;
	p2 =	sgt.s32 s16, $0xFFF  }
0x18: {  	s16 =	smov.u32 @p2 s2;
	p2 =	sne.s32 s11, s7  }
.Ltmp1:
0x19: {  	p1 =	slt.u32 s11, $0x2;
	(pc) =	sbr.rel @!p2 .LBB1_6-.Ltmp1, $4  }
0x1a: {  	s15 =	simm.s32 @!p1 $0x2  }
0x1b: {  	s13 =	smov.u32 s10;
	p0 =	por !p0, !p0;
	_ =	swait.ge @!p1 [sflag:s15], $0x1000  }
0x1c: {  	s12 =	smov.u32 s9;
	[sflag:s15] =	ssyncset.done @!p1 $0x0;
	s9 =	smov.u32 s14  }
0x1d: {  	s11 =	sadd.s32 $0x1, s11;
	[sflag:s15] =	ssyncadd.s32 @!p1 $0xFFFFF000;
	s10 =	smov.u32 s16  }
.LBB1_1:
0x1e: {  	p1 =	sge.u32 s11, s5  }
0x1f: {  	s14 =	sand.u32 @!p1 $0x1FFFFFF, s9  }
0x20: {  	s15 =	smulhi.u32 @!p1 $0x147AE15, s14;
	_ =	sdelay $0x1  }
0x21: {  	s15 =	smul.u32 @!p1 $0xC8, s15  }
0x22: {  	s16 =	sxor.u32 @!p1 $0xFFFFFFFF, s11;
	s17 =	smul.u32 @!p1 $0xC80, s10  }
0x23: {  	s31 =	sadd.s32 $0xFFFFFFFF, s11;
	s16 =	sshll.u32 @!p1 s16, $0xC;
	s14 =	ssub.s32 @!p1 s14, s15  }
0x24: {  	s15 =	sand.u32 @!p1 $0x1000, s16;
	s16 =	sadd.s32 @!p1 s6, s17;
	s14 =	sshll.u32 @!p1 s14, $0x4  }
0x25: {  	s17 =	simm.s32 @!p1 $0x6400;
	s14 =	sadd.s32 @!p1 s14, s16;
	s16 =	simm.s32 @!p1 $0x20  }
0x26: {  	[tilespmem:s15], [sflag:$0x1] =	stream.strided.gather @!p1 [hbm4b:s14+s16], $0x1000, s17, s16, $0x38;
	[tilespmem:$0x4040] =	vst v63  }
0x27: {  	p1 =	sge.u32 s31, s5  }
.Ltmp2:
0x28: {  	_ = 	snop;
	(pc) =	sbr.rel @p1 .LBB1_5-.Ltmp2, $1  }
0x29: {  	_ =	sdelay $0x3  }
0x2a: {  	s14 =	simm.s32 $0x1  }
0x2b: {  	_ =	swait.ge [sflag:s4], $0x1000;
	s14 =	simm.s32 @!p0 $0x0  }
0x2c: {  	[sflag:s4] =	ssyncset.done $0x0;
	s15 =	sshll.u32 s14, $0xC  }
0x2d: {  	[sflag:s4] =	ssyncadd.s32 $0xFFFFF000;
	s18 =	sor.u32 $0x10, s15  }
0x2e: {  	s14 =	smul.u32 $0x4080, s14;
	v1 =	vld [tilespmem:s18+$0x0]  }
0x2f: {  	s30 =	sand.u32 $0x1, s11;
	v0 =	vld [tilespmem:s18+$0xFFFFFFF0]  }
0x30: {  	s15 =	smul.u32 $0x4080, s30;
	s14 =	sshrl.u32 s14, $0x2  }
0x31: {  	s16 =	sor.u32 $0x2000, s14  }
0x32: {  	s31 =	sshrl.u32 s15, $0x2;
	s15 =	sadd.s32 $0x0, s16  }
0x33: {  	s17 =	simm.s32 $0x4;
	s18 =	sadd.s32 $0x20, s18;
	s14 =	sor.u32 $0x2000, s31;
	[tilespmem:s15+$0x810 ss:$0x81] =	vst.msk $0xffff, v1  }
.LBB1_3:
0x34: {  	v1 =	vld [tilespmem:s18+$0x0];
	p1 =	sne.s32 s17, $0x1FC;
	[tilespmem:s15+$0x0 ss:$0x81] =	vst.msk $0xffff, v0;
	s15 =	smov.u32 s17;
	s17 =	sadd.s32 $0x4, s17  }
.Ltmp3:
0x35: {  	v0 =	vld [tilespmem:s18+$0xFFFFFFF0];
	(pc) =	sbr.rel @p1 .LBB1_3-.Ltmp3, $4  }
0x36: {  	_ = 	snop  }
0x37: {  	s15 =	sshra.s32 s15, $0x2  }
0x38: {  	s15 =	sadd.s32 s15, s16  }
0x39: {  	s18 =	sadd.s32 $0x20, s18;
	[tilespmem:s15+$0x810 ss:$0x81] =	vst.msk $0xffff, v1  }
.Ltmp4:
0x3a: {  	_ = 	snop;
	(pc) =	sbr.rel .LBB1_4-.Ltmp4, $1  }
0x3b: {  	_ =	sdelay $0x3  }
.LBB1_6:
0x3c: {  	_ =	sfence.sel $0x180000  }
0x3d: {  	s2 =	simm.s32 $0x1;
	[bflag:$0x0] =	sbarrier.arrive $0xFFFF  }
0x3e: {  	s31 =	simm.s32 $0x2;
	[sflag:s2] =	ssyncpa.u1 $0x1  }
0x3f: {  	[sflag:s31] =	ssyncpa.u1 $0x1  }
0x40: {  	p0 =	sne.s32 s0, $0x0;
	_ =	strace $0x9000004A  }
0x41: {  	s0 =	sadd.s32 @!p0 $0x100000, s1;
	[bflag:$0x2] =	sbarrier.arrive $0xFFFF  }
0x42: {  	[sflag:s0] =	ssyncadd.tile.s32 @!p0 $0x1;
	_ =	shalt  }
.Lfunc_end1:
_tile_overlayer_lowered:
.L_overlay_start_2:
0x43: {  	(tag) =	ssettag $0x2  }
0x44: {  	s0 =	rddreg [dreg:$0x0];
	s2 =	stileid.u32  }
0x45: {  	s1 =	rddreg [dreg:$0x1];
	p0 =	sne.s32 s2, $0x0  }
0x46: {  	s3 =	rddreg [dreg:$0x2];
	[bflag:$0x3] =	sbarrier.arrive $0xFFFF;
	s2 =	simm.s32 @!p0 $0x1C01  }
0x47: {  	[timem:s3], [sflag:s2] =	dma.local @!p0 [hbm:s0], s1  }
0x48: {  	s0 =	simm.s32 @!p0 $0x1  }
0x49: {  	_ =	swait.ge @!p0 [sflag:s0], s1  }
0x4a: {  	s1 =	ssub.s32 @!p0 $0x0, s1;
	[sflag:s0] =	ssyncset.done @!p0 $0x0  }
0x4b: {  	[sflag:s0] =	ssyncadd.s32 @!p0 s1  }
0x4c: {  	[bflag:$0x3] =	sbarrier.arrive $0xFFFF  }
0x4d: {  	_ =	shalt  }

</sc_bundles>
